<compile_context>
chip_gen: v7x
topology: tpu7x:2x2x1
jax: 0.10.2.dev20260603
libtpu: 0.0.44.dev20260713+nightly
codegen_flags: <defaults>
</compile_context>

<pallas_src>
import functools

import jax
import jax.numpy as jnp
from jax import lax
from jax.experimental import pallas as pl
from jax.experimental.pallas import tpu as pltpu
from jax.experimental.pallas import tpu_sc as plsc

N = 10000
E = 320000
D_IN = 128
D_HID = 128
D_OUT = 64

NC = 2
NS = 16
NW = NC * NS
EPW = E // NW
K = 128
NCHUNK = EPW // K
KT = EPW - NCHUNK * K
NP = 10112
RPT = NP // NS
DEG_W = 128

_mesh = plsc.VectorSubcoreMesh(core_axis_name="c", subcore_axis_name="s")


def _worker(c, s):
    return s * NC + c


@functools.partial(
    pl.kernel,
    out_type=jax.ShapeDtypeStruct((NC, NP, DEG_W), jnp.float32),
    mesh=_mesh,
    scratch_types=[
        pltpu.VMEM((NCHUNK, K), jnp.int32),
        pltpu.VMEM((1, KT), jnp.int32),
        pltpu.VMEM((K, DEG_W), jnp.float32),
        pltpu.VMEM_SHARED((NP, DEG_W), jnp.float32),
        pltpu.SemaphoreType.DMA,
    ],
)
def _deg_kernel(dst_hbm, dstt_hbm, ones_hbm, zeros_hbm, out_hbm,
                didx, didxt, ones_v, acc, sem):
    c = lax.axis_index("c")
    s = lax.axis_index("s")
    wid = _worker(c, s)
    pltpu.sync_copy(ones_hbm, ones_v)
    pltpu.sync_copy(dst_hbm.at[wid], didx)
    pltpu.sync_copy(dstt_hbm.at[wid], didxt)
    pltpu.sync_copy(zeros_hbm.at[pl.ds(s * RPT, RPT)],
                    acc.at[pl.ds(s * RPT, RPT)])
    plsc.subcore_barrier()

    def chunk(i, carry):
        pltpu.async_copy(ones_v, acc.at[didx.at[i]], sem, add=True)
        return carry

    lax.fori_loop(0, NCHUNK, chunk, 0)
    pltpu.async_copy(ones_v.at[pl.ds(0, KT)], acc.at[didxt.at[0]], sem,
                     add=True)

    def drain(i, carry):
        pltpu.make_async_copy(ones_v, acc.at[didx.at[i]], sem).wait()
        return carry

    lax.fori_loop(0, NCHUNK, drain, 0)
    pltpu.make_async_copy(ones_v.at[pl.ds(0, KT)], acc.at[didxt.at[0]],
                          sem).wait()
    plsc.subcore_barrier()
    pltpu.sync_copy(acc.at[pl.ds(s * RPT, RPT)],
                    out_hbm.at[c, pl.ds(s * RPT, RPT)])


def _make_agg(D):
    @functools.partial(
        pl.kernel,
        out_type=jax.ShapeDtypeStruct((NC, NP, D), jnp.float32),
        mesh=_mesh,
        scratch_types=[
            pltpu.VMEM((NCHUNK, K), jnp.int32),
            pltpu.VMEM((NCHUNK, K), jnp.int32),
            pltpu.VMEM((1, KT), jnp.int32),
            pltpu.VMEM((1, KT), jnp.int32),
            pltpu.VMEM((1, K, D), jnp.float32),
            pltpu.VMEM_SHARED((NP, D), jnp.float32),
        ],
    )
    def agg(g_hbm, src_hbm, dst_hbm, srct_hbm, dstt_hbm, zeros_hbm, out_hbm,
            sidx, didx, sidxt, didxt, rows, acc):
        c = lax.axis_index("c")
        s = lax.axis_index("s")
        wid = _worker(c, s)
        pltpu.sync_copy(src_hbm.at[wid], sidx)
        pltpu.sync_copy(dst_hbm.at[wid], didx)
        pltpu.sync_copy(srct_hbm.at[wid], sidxt)
        pltpu.sync_copy(dstt_hbm.at[wid], didxt)
        pltpu.sync_copy(zeros_hbm.at[pl.ds(s * RPT, RPT)],
                        acc.at[pl.ds(s * RPT, RPT)])
        plsc.subcore_barrier()

        def chunk(i, carry):
            pltpu.sync_copy(g_hbm.at[sidx.at[i]], rows.at[0])
            pltpu.sync_copy(rows.at[0], acc.at[didx.at[i]], add=True)
            return carry

        lax.fori_loop(0, NCHUNK, chunk, 0)
        pltpu.sync_copy(g_hbm.at[sidxt.at[0]], rows.at[0, pl.ds(0, KT)])
        pltpu.sync_copy(rows.at[0, pl.ds(0, KT)], acc.at[didxt.at[0]],
                        add=True)
        plsc.subcore_barrier()
        pltpu.sync_copy(acc.at[pl.ds(s * RPT, RPT)],
                        out_hbm.at[c, pl.ds(s * RPT, RPT)])

    return agg


_agg_hid = _make_agg(D_HID)


_BLK = 1000


def _dinv(d0_ref, d1_ref):
    deg = d0_ref[:, 0:1] + d1_ref[:, 0:1] + 1.0
    return lax.rsqrt(deg)


def _g1_body(d0_ref, d1_ref, x_ref, w_ref, o_ref):
    h = jnp.dot(x_ref[...], w_ref[...], preferred_element_type=jnp.float32)
    o_ref[...] = h * _dinv(d0_ref, d1_ref)


def _mid_body(d0_ref, d1_ref, a0_ref, a1_ref, g1_ref, b1_ref, o_ref):
    dinv = _dinv(d0_ref, d1_ref)
    pre = (a0_ref[...] + a1_ref[...] + g1_ref[...]) * dinv + b1_ref[...]
    o_ref[...] = jnp.maximum(pre, 0.0) * dinv


def _out_body(d0_ref, d1_ref, a0_ref, a1_ref, s1_ref, w2_ref, b2_ref, o_ref):
    dinv = _dinv(d0_ref, d1_ref)
    pre = (a0_ref[...] + a1_ref[...] + s1_ref[...]) * dinv
    h = jnp.dot(pre, w2_ref[...], preferred_element_type=jnp.float32)
    o_ref[...] = h + b2_ref[...]


def _row_spec(d):
    return pl.BlockSpec((_BLK, d), lambda i: (i, 0))


def _full_spec(r, d):
    return pl.BlockSpec((r, d), lambda i: (0, 0))


_g1_call = pl.pallas_call(
    _g1_body,
    grid=(N // _BLK,),
    in_specs=[_row_spec(DEG_W), _row_spec(DEG_W), _row_spec(D_IN),
              _full_spec(D_IN, D_HID)],
    out_specs=_row_spec(D_HID),
    out_shape=jax.ShapeDtypeStruct((N, D_HID), jnp.float32),
)

_mid_call = pl.pallas_call(
    _mid_body,
    grid=(N // _BLK,),
    in_specs=[_row_spec(DEG_W), _row_spec(DEG_W), _row_spec(D_HID),
              _row_spec(D_HID), _row_spec(D_HID), _full_spec(1, D_HID)],
    out_specs=_row_spec(D_HID),
    out_shape=jax.ShapeDtypeStruct((N, D_HID), jnp.float32),
)

_out_call = pl.pallas_call(
    _out_body,
    grid=(N // _BLK,),
    in_specs=[_row_spec(DEG_W), _row_spec(DEG_W), _row_spec(D_HID),
              _row_spec(D_HID), _row_spec(D_HID), _full_spec(D_HID, D_OUT),
              _full_spec(1, D_OUT)],
    out_specs=_row_spec(D_OUT),
    out_shape=jax.ShapeDtypeStruct((N, D_OUT), jnp.float32),
)


@jax.jit
def kernel(x, edge_index, W1, b1, W2, b2):
    src_all = edge_index[0].reshape(NW, EPW)
    dst_all = edge_index[1].reshape(NW, EPW)
    src = src_all[:, :NCHUNK * K].reshape(NW, NCHUNK, K)
    dst = dst_all[:, :NCHUNK * K].reshape(NW, NCHUNK, K)
    srct = src_all[:, NCHUNK * K:].reshape(NW, 1, KT)
    dstt = dst_all[:, NCHUNK * K:].reshape(NW, 1, KT)
    ones_deg = jnp.ones((K, DEG_W), jnp.float32)
    zeros_deg = jnp.zeros((NP, DEG_W), jnp.float32)
    zeros_hid = jnp.zeros((NP, D_HID), jnp.float32)

    degacc = _deg_kernel(dst, dstt, ones_deg, zeros_deg)
    d0, d1 = degacc[0], degacc[1]

    g1 = _g1_call(d0, d1, x, W1)
    agg1 = _agg_hid(g1, src, dst, srct, dstt, zeros_hid)
    s1 = _mid_call(d0, d1, agg1[0], agg1[1], g1,
                   b1.reshape(1, D_HID))
    agg2 = _agg_hid(s1, src, dst, srct, dstt, zeros_hid)
    out = _out_call(d0, d1, agg2[0], agg2[1], s1, W2,
                    b2.reshape(1, D_OUT))
    return out

# --- scband reference (transcript-rebuilt; emitter-appended) ---
"""Pipeline reference for scband-gcn-9345848836264 (READ-ONLY COPY).

The authoritative reference and input builder live on the scoring server;
editing this copy changes nothing except your own understanding.
"""

import jax, jax.numpy as jnp
import numpy as np

N = 10000
E = 320000
D_IN = 128
D_HID = 128
D_OUT = 64


def setup_inputs(seed: int = 0) -> dict:
    key = jax.random.key(seed)
    k1, k2, k3, k4, k5, k6 = jax.random.split(key, 6)
    x = jax.random.normal(k1, (N, D_IN), dtype=jnp.float32)
    edge_index = jax.random.randint(k2, (2, E), 0, N, dtype=jnp.int32)
    # GCNConv layer parameters (lin weight + bias), Glorot-style scale
    W1 = jax.random.normal(k3, (D_IN, D_HID), dtype=jnp.float32) * (1.0 / np.sqrt(D_IN))
    b1 = jnp.zeros((D_HID,), dtype=jnp.float32)
    W2 = jax.random.normal(k4, (D_HID, D_OUT), dtype=jnp.float32) * (1.0 / np.sqrt(D_HID))
    b2 = jnp.zeros((D_OUT,), dtype=jnp.float32)
    return {"x": x, "edge_index": edge_index, "W1": W1, "b1": b1, "W2": W2, "b2": b2}


def _gcn_conv(x, src, dst, W, b, num_nodes):
    # PyG GCNConv: linear transform, symmetric deg^-1/2 normalization
    # (self-loops already appended to src/dst), scatter-add aggregation, + bias
    h = x @ W
    deg = jax.ops.segment_sum(jnp.ones(dst.shape[0], dtype=jnp.float32), dst,
                              num_segments=num_nodes)
    deg_inv_sqrt = jnp.where(deg > 0, jax.lax.rsqrt(jnp.maximum(deg, 1e-12)), 0.0)
    norm = deg_inv_sqrt[src] * deg_inv_sqrt[dst]
    msg = h[src] * norm[:, None]
    out = jax.ops.segment_sum(msg, dst, num_segments=num_nodes)
    return out + b


def reference(x, edge_index, W1, b1, W2, b2):
    num_nodes = x.shape[0]
    loop = jnp.arange(num_nodes, dtype=edge_index.dtype)
    src = jnp.concatenate([edge_index[0], loop])
    dst = jnp.concatenate([edge_index[1], loop])
    h = _gcn_conv(x, src, dst, W1, b1, num_nodes)
    h = jax.nn.relu(h)
    out = _gcn_conv(h, src, dst, W2, b2, num_nodes)
    return out

if __name__ == "__main__":
    import jax
    _d = setup_inputs()
    print(jax.jit(kernel)(*tuple(_d.values())))

</pallas_src>

<mosaic_0001>
#map = affine_map<(d0, d1) -> (0, 0)>
#map1 = affine_map<(d0, d1) -> (0, 0, 0)>
module attributes {stable_mosaic.version = 14 : i64} {
  func.func @agg(%arg0: i32, %arg1: i32, %arg2: memref<10000x128xf32, #tpu.memory_space<hbm>>, %arg3: memref<32x78x128xi32, #tpu.memory_space<hbm>>, %arg4: memref<32x78x128xi32, #tpu.memory_space<hbm>>, %arg5: memref<32x1x16xi32, #tpu.memory_space<hbm>>, %arg6: memref<32x1x16xi32, #tpu.memory_space<hbm>>, %arg7: memref<10112x128xf32, #tpu.memory_space<hbm>>, %arg8: memref<2x10112x128xf32, #tpu.memory_space<hbm>>, %arg9: memref<78x128xi32, #tpu.memory_space<vmem>>, %arg10: memref<78x128xi32, #tpu.memory_space<vmem>>, %arg11: memref<1x16xi32, #tpu.memory_space<vmem>>, %arg12: memref<1x16xi32, #tpu.memory_space<vmem>>, %arg13: memref<1x128x128xf32, #tpu.memory_space<vmem>>, %arg14: memref<10112x128xf32, #tpu.memory_space<vmem_shared>>) attributes {dimension_semantics = [#tpu.dimension_semantics<core_parallel>, #tpu.dimension_semantics<subcore_parallel>], iteration_bounds = array<i64: 2, 16>, scalar_prefetch = 0 : i64, scratch_operands = 6 : i64, tpu.core_type = #tpu.core_type<sc_vector_subcore>, window_params = [{transform_indices = #map}, {transform_indices = #map1}, {transform_indices = #map1}, {transform_indices = #map1}, {transform_indices = #map1}, {transform_indices = #map}, {transform_indices = #map1}]} {
    %mul3A = arith.constant 2 : i32
    %mul3A_0 = arith.muli %arg1, %mul3A : i32
    %add3A = arith.addi %mul3A_0, %arg0 : i32
    "tpu.region"() ({
      %run_scoped3A_18 = tpu.sem_alloc : memref<!tpu.dma_semaphore, #tpu.memory_space<semaphore_mem>>
      %dma_start3A = arith.constant 0 : i32
      %dma_start3A_19 = arith.constant 0 : i32
      %dma_start3A_20 = tpu.memref_slice %arg3[%add3A, %dma_start3A, %dma_start3A_19] : memref<32x78x128xi32, #tpu.memory_space<hbm>> -> memref<1x78x128xi32, #tpu.memory_space<hbm>>
      %dma_start3A_21 = tpu.memref_squeeze %dma_start3A_20 : memref<1x78x128xi32, #tpu.memory_space<hbm>> -> memref<78x128xi32, #tpu.memory_space<hbm>>
      %dma_start3A_22 = arith.constant 0 : i32
      %dma_start3A_23 = arith.constant 0 : i32
      %dma_start3A_24 = tpu.memref_slice %arg3[%add3A, %dma_start3A_22, %dma_start3A_23] : memref<32x78x128xi32, #tpu.memory_space<hbm>> -> memref<1x78x128xi32, #tpu.memory_space<hbm>>
      %dma_start3A_25 = tpu.memref_squeeze %dma_start3A_24 : memref<1x78x128xi32, #tpu.memory_space<hbm>> -> memref<78x128xi32, #tpu.memory_space<hbm>>
      tpu.enqueue_dma source(%dma_start3A_25 : memref<78x128xi32, #tpu.memory_space<hbm>>) target(%arg9 : memref<78x128xi32, #tpu.memory_space<vmem>>) target_semaphore(%run_scoped3A_18 : memref<!tpu.dma_semaphore, #tpu.memory_space<semaphore_mem>>)
      %dma_wait3A = arith.constant 0 : i32
      %dma_wait3A_26 = arith.constant 0 : i32
      %dma_wait3A_27 = tpu.memref_slice %arg3[%add3A, %dma_wait3A, %dma_wait3A_26] : memref<32x78x128xi32, #tpu.memory_space<hbm>> -> memref<1x78x128xi32, #tpu.memory_space<hbm>>
      %dma_wait3A_28 = tpu.memref_squeeze %dma_wait3A_27 : memref<1x78x128xi32, #tpu.memory_space<hbm>> -> memref<78x128xi32, #tpu.memory_space<hbm>>
      %dma_wait3A_29 = arith.constant 0 : i32
      %dma_wait3A_30 = arith.constant 0 : i32
      %dma_wait3A_31 = tpu.memref_slice %arg3[%add3A, %dma_wait3A_29, %dma_wait3A_30] : memref<32x78x128xi32, #tpu.memory_space<hbm>> -> memref<1x78x128xi32, #tpu.memory_space<hbm>>
      %dma_wait3A_32 = tpu.memref_squeeze %dma_wait3A_31 : memref<1x78x128xi32, #tpu.memory_space<hbm>> -> memref<78x128xi32, #tpu.memory_space<hbm>>
      tpu.wait_dma2 semaphore(%run_scoped3A_18 : memref<!tpu.dma_semaphore, #tpu.memory_space<semaphore_mem>>) src(%dma_wait3A_32 : memref<78x128xi32, #tpu.memory_space<hbm>>) dst(%arg9 : memref<78x128xi32, #tpu.memory_space<vmem>>)
      tpu.yield
    }) : () -> ()
    "tpu.region"() ({
      %run_scoped3A_18 = tpu.sem_alloc : memref<!tpu.dma_semaphore, #tpu.memory_space<semaphore_mem>>
      %dma_start3A = arith.constant 0 : i32
      %dma_start3A_19 = arith.constant 0 : i32
      %dma_start3A_20 = tpu.memref_slice %arg4[%add3A, %dma_start3A, %dma_start3A_19] : memref<32x78x128xi32, #tpu.memory_space<hbm>> -> memref<1x78x128xi32, #tpu.memory_space<hbm>>
      %dma_start3A_21 = tpu.memref_squeeze %dma_start3A_20 : memref<1x78x128xi32, #tpu.memory_space<hbm>> -> memref<78x128xi32, #tpu.memory_space<hbm>>
      %dma_start3A_22 = arith.constant 0 : i32
      %dma_start3A_23 = arith.constant 0 : i32
      %dma_start3A_24 = tpu.memref_slice %arg4[%add3A, %dma_start3A_22, %dma_start3A_23] : memref<32x78x128xi32, #tpu.memory_space<hbm>> -> memref<1x78x128xi32, #tpu.memory_space<hbm>>
      %dma_start3A_25 = tpu.memref_squeeze %dma_start3A_24 : memref<1x78x128xi32, #tpu.memory_space<hbm>> -> memref<78x128xi32, #tpu.memory_space<hbm>>
      tpu.enqueue_dma source(%dma_start3A_25 : memref<78x128xi32, #tpu.memory_space<hbm>>) target(%arg10 : memref<78x128xi32, #tpu.memory_space<vmem>>) target_semaphore(%run_scoped3A_18 : memref<!tpu.dma_semaphore, #tpu.memory_space<semaphore_mem>>)
      %dma_wait3A = arith.constant 0 : i32
      %dma_wait3A_26 = arith.constant 0 : i32
      %dma_wait3A_27 = tpu.memref_slice %arg4[%add3A, %dma_wait3A, %dma_wait3A_26] : memref<32x78x128xi32, #tpu.memory_space<hbm>> -> memref<1x78x128xi32, #tpu.memory_space<hbm>>
      %dma_wait3A_28 = tpu.memref_squeeze %dma_wait3A_27 : memref<1x78x128xi32, #tpu.memory_space<hbm>> -> memref<78x128xi32, #tpu.memory_space<hbm>>
      %dma_wait3A_29 = arith.constant 0 : i32
      %dma_wait3A_30 = arith.constant 0 : i32
      %dma_wait3A_31 = tpu.memref_slice %arg4[%add3A, %dma_wait3A_29, %dma_wait3A_30] : memref<32x78x128xi32, #tpu.memory_space<hbm>> -> memref<1x78x128xi32, #tpu.memory_space<hbm>>
      %dma_wait3A_32 = tpu.memref_squeeze %dma_wait3A_31 : memref<1x78x128xi32, #tpu.memory_space<hbm>> -> memref<78x128xi32, #tpu.memory_space<hbm>>
      tpu.wait_dma2 semaphore(%run_scoped3A_18 : memref<!tpu.dma_semaphore, #tpu.memory_space<semaphore_mem>>) src(%dma_wait3A_32 : memref<78x128xi32, #tpu.memory_space<hbm>>) dst(%arg10 : memref<78x128xi32, #tpu.memory_space<vmem>>)
      tpu.yield
    }) : () -> ()
    "tpu.region"() ({
      %run_scoped3A_18 = tpu.sem_alloc : memref<!tpu.dma_semaphore, #tpu.memory_space<semaphore_mem>>
      %dma_start3A = arith.constant 0 : i32
      %dma_start3A_19 = arith.constant 0 : i32
      %dma_start3A_20 = tpu.memref_slice %arg5[%add3A, %dma_start3A, %dma_start3A_19] : memref<32x1x16xi32, #tpu.memory_space<hbm>> -> memref<1x1x16xi32, #tpu.memory_space<hbm>>
      %dma_start3A_21 = tpu.memref_squeeze %dma_start3A_20 : memref<1x1x16xi32, #tpu.memory_space<hbm>> -> memref<1x16xi32, #tpu.memory_space<hbm>>
      %dma_start3A_22 = arith.constant 0 : i32
      %dma_start3A_23 = arith.constant 0 : i32
      %dma_start3A_24 = tpu.memref_slice %arg5[%add3A, %dma_start3A_22, %dma_start3A_23] : memref<32x1x16xi32, #tpu.memory_space<hbm>> -> memref<1x1x16xi32, #tpu.memory_space<hbm>>
      %dma_start3A_25 = tpu.memref_squeeze %dma_start3A_24 : memref<1x1x16xi32, #tpu.memory_space<hbm>> -> memref<1x16xi32, #tpu.memory_space<hbm>>
      tpu.enqueue_dma source(%dma_start3A_25 : memref<1x16xi32, #tpu.memory_space<hbm>>) target(%arg11 : memref<1x16xi32, #tpu.memory_space<vmem>>) target_semaphore(%run_scoped3A_18 : memref<!tpu.dma_semaphore, #tpu.memory_space<semaphore_mem>>)
      %dma_wait3A = arith.constant 0 : i32
      %dma_wait3A_26 = arith.constant 0 : i32
      %dma_wait3A_27 = tpu.memref_slice %arg5[%add3A, %dma_wait3A, %dma_wait3A_26] : memref<32x1x16xi32, #tpu.memory_space<hbm>> -> memref<1x1x16xi32, #tpu.memory_space<hbm>>
      %dma_wait3A_28 = tpu.memref_squeeze %dma_wait3A_27 : memref<1x1x16xi32, #tpu.memory_space<hbm>> -> memref<1x16xi32, #tpu.memory_space<hbm>>
      %dma_wait3A_29 = arith.constant 0 : i32
      %dma_wait3A_30 = arith.constant 0 : i32
      %dma_wait3A_31 = tpu.memref_slice %arg5[%add3A, %dma_wait3A_29, %dma_wait3A_30] : memref<32x1x16xi32, #tpu.memory_space<hbm>> -> memref<1x1x16xi32, #tpu.memory_space<hbm>>
      %dma_wait3A_32 = tpu.memref_squeeze %dma_wait3A_31 : memref<1x1x16xi32, #tpu.memory_space<hbm>> -> memref<1x16xi32, #tpu.memory_space<hbm>>
      tpu.wait_dma2 semaphore(%run_scoped3A_18 : memref<!tpu.dma_semaphore, #tpu.memory_space<semaphore_mem>>) src(%dma_wait3A_32 : memref<1x16xi32, #tpu.memory_space<hbm>>) dst(%arg11 : memref<1x16xi32, #tpu.memory_space<vmem>>)
      tpu.yield
    }) : () -> ()
    "tpu.region"() ({
      %run_scoped3A_18 = tpu.sem_alloc : memref<!tpu.dma_semaphore, #tpu.memory_space<semaphore_mem>>
      %dma_start3A = arith.constant 0 : i32
      %dma_start3A_19 = arith.constant 0 : i32
      %dma_start3A_20 = tpu.memref_slice %arg6[%add3A, %dma_start3A, %dma_start3A_19] : memref<32x1x16xi32, #tpu.memory_space<hbm>> -> memref<1x1x16xi32, #tpu.memory_space<hbm>>
      %dma_start3A_21 = tpu.memref_squeeze %dma_start3A_20 : memref<1x1x16xi32, #tpu.memory_space<hbm>> -> memref<1x16xi32, #tpu.memory_space<hbm>>
      %dma_start3A_22 = arith.constant 0 : i32
      %dma_start3A_23 = arith.constant 0 : i32
      %dma_start3A_24 = tpu.memref_slice %arg6[%add3A, %dma_start3A_22, %dma_start3A_23] : memref<32x1x16xi32, #tpu.memory_space<hbm>> -> memref<1x1x16xi32, #tpu.memory_space<hbm>>
      %dma_start3A_25 = tpu.memref_squeeze %dma_start3A_24 : memref<1x1x16xi32, #tpu.memory_space<hbm>> -> memref<1x16xi32, #tpu.memory_space<hbm>>
      tpu.enqueue_dma source(%dma_start3A_25 : memref<1x16xi32, #tpu.memory_space<hbm>>) target(%arg12 : memref<1x16xi32, #tpu.memory_space<vmem>>) target_semaphore(%run_scoped3A_18 : memref<!tpu.dma_semaphore, #tpu.memory_space<semaphore_mem>>)
      %dma_wait3A = arith.constant 0 : i32
      %dma_wait3A_26 = arith.constant 0 : i32
      %dma_wait3A_27 = tpu.memref_slice %arg6[%add3A, %dma_wait3A, %dma_wait3A_26] : memref<32x1x16xi32, #tpu.memory_space<hbm>> -> memref<1x1x16xi32, #tpu.memory_space<hbm>>
      %dma_wait3A_28 = tpu.memref_squeeze %dma_wait3A_27 : memref<1x1x16xi32, #tpu.memory_space<hbm>> -> memref<1x16xi32, #tpu.memory_space<hbm>>
      %dma_wait3A_29 = arith.constant 0 : i32
      %dma_wait3A_30 = arith.constant 0 : i32
      %dma_wait3A_31 = tpu.memref_slice %arg6[%add3A, %dma_wait3A_29, %dma_wait3A_30] : memref<32x1x16xi32, #tpu.memory_space<hbm>> -> memref<1x1x16xi32, #tpu.memory_space<hbm>>
      %dma_wait3A_32 = tpu.memref_squeeze %dma_wait3A_31 : memref<1x1x16xi32, #tpu.memory_space<hbm>> -> memref<1x16xi32, #tpu.memory_space<hbm>>
      tpu.wait_dma2 semaphore(%run_scoped3A_18 : memref<!tpu.dma_semaphore, #tpu.memory_space<semaphore_mem>>) src(%dma_wait3A_32 : memref<1x16xi32, #tpu.memory_space<hbm>>) dst(%arg12 : memref<1x16xi32, #tpu.memory_space<vmem>>)
      tpu.yield
    }) : () -> ()
    %mul3A_1 = arith.constant 632 : i32
    %mul3A_2 = arith.muli %arg1, %mul3A_1 : i32
    %mul3A_3 = arith.constant 632 : i32
    %mul3A_4 = arith.muli %arg1, %mul3A_3 : i32
    "tpu.region"() ({
      %run_scoped3A_18 = tpu.sem_alloc : memref<!tpu.dma_semaphore, #tpu.memory_space<semaphore_mem>>
      %dma_start3A = arith.constant 0 : i32
      %dma_start3A_19 = tpu.memref_slice %arg14[%mul3A_4, %dma_start3A] : memref<10112x128xf32, #tpu.memory_space<vmem_shared>> -> memref<632x128xf32, #tpu.memory_space<vmem_shared>>
      %dma_start3A_20 = arith.constant 0 : i32
      %dma_start3A_21 = tpu.memref_slice %arg7[%mul3A_2, %dma_start3A_20] : memref<10112x128xf32, #tpu.memory_space<hbm>> -> memref<632x128xf32, #tpu.memory_space<hbm>>
      tpu.enqueue_dma source(%dma_start3A_21 : memref<632x128xf32, #tpu.memory_space<hbm>>) target(%dma_start3A_19 : memref<632x128xf32, #tpu.memory_space<vmem_shared>>) target_semaphore(%run_scoped3A_18 : memref<!tpu.dma_semaphore, #tpu.memory_space<semaphore_mem>>)
      %dma_wait3A = arith.constant 0 : i32
      %dma_wait3A_22 = tpu.memref_slice %arg14[%mul3A_4, %dma_wait3A] : memref<10112x128xf32, #tpu.memory_space<vmem_shared>> -> memref<632x128xf32, #tpu.memory_space<vmem_shared>>
      %dma_wait3A_23 = arith.constant 0 : i32
      %dma_wait3A_24 = tpu.memref_slice %arg7[%mul3A_2, %dma_wait3A_23] : memref<10112x128xf32, #tpu.memory_space<hbm>> -> memref<632x128xf32, #tpu.memory_space<hbm>>
      tpu.wait_dma2 semaphore(%run_scoped3A_18 : memref<!tpu.dma_semaphore, #tpu.memory_space<semaphore_mem>>) src(%dma_wait3A_24 : memref<632x128xf32, #tpu.memory_space<hbm>>) dst(%dma_wait3A_22 : memref<632x128xf32, #tpu.memory_space<vmem_shared>>)
      tpu.yield
    }) : () -> ()
    %barrier3A = arith.constant 0 : index
    tpu.barrier barrier_id(%barrier3A)
    %scan3A = arith.constant 0 : i32
    %scan3A_5 = arith.constant 0 : i32
    %scan3A_6 = arith.constant 78 : i32
    %scan3A_7 = arith.addi %scan3A_5, %scan3A_6 : i32
    %scan3A_8 = arith.constant 1 : i32
    scf.for %scan3A_18 = %scan3A_5 to %scan3A_7 step %scan3A_8  : i32 {
      %run_scoped3A_19 = arith.constant 0 : i32
      "tpu.region"() ({
        %run_scoped3A_21 = tpu.sem_alloc : memref<!tpu.dma_semaphore, #tpu.memory_space<semaphore_mem>>
        %dma_start3A = arith.constant 0 : i32
        %dma_start3A_22 = arith.constant 0 : i32
        %dma_start3A_23 = tpu.memref_slice %arg13[%run_scoped3A_19, %dma_start3A, %dma_start3A_22] : memref<1x128x128xf32, #tpu.memory_space<vmem>> -> memref<1x128x128xf32, #tpu.memory_space<vmem>>
        %dma_start3A_24 = tpu.memref_squeeze %dma_start3A_23 : memref<1x128x128xf32, #tpu.memory_space<vmem>> -> memref<128x128xf32, #tpu.memory_space<vmem>>
        %dma_start3A_25 = arith.constant 0 : i32
        %dma_start3A_26 = tpu.memref_slice %arg9[%scan3A_18, %dma_start3A_25] : memref<78x128xi32, #tpu.memory_space<vmem>> -> memref<1x128xi32, #tpu.memory_space<vmem>>
        %dma_start3A_27 = tpu.memref_squeeze %dma_start3A_26 : memref<1x128xi32, #tpu.memory_space<vmem>> -> memref<128xi32, #tpu.memory_space<vmem>>
        %dma_start3A_28 = arith.constant 0 : i32
        %dma_start3A_29 = arith.constant 0 : i32
        %dma_start3A_30 = tpu.memref_slice %arg2[%dma_start3A_28, %dma_start3A_29] : memref<10000x128xf32, #tpu.memory_space<hbm>> -> memref<10000x128xf32, #tpu.memory_space<hbm>>
        tpu.enqueue_indirect_dma source(%dma_start3A_30 : memref<10000x128xf32, #tpu.memory_space<hbm>>) target(%dma_start3A_24 : memref<128x128xf32, #tpu.memory_space<vmem>>) offsets(%dma_start3A_27 : memref<128xi32, #tpu.memory_space<vmem>>) semaphore(%run_scoped3A_21 : memref<!tpu.dma_semaphore, #tpu.memory_space<semaphore_mem>>)
        %dma_wait3A = arith.constant 0 : i32
        %dma_wait3A_31 = arith.constant 0 : i32
        %dma_wait3A_32 = tpu.memref_slice %arg13[%run_scoped3A_19, %dma_wait3A, %dma_wait3A_31] : memref<1x128x128xf32, #tpu.memory_space<vmem>> -> memref<1x128x128xf32, #tpu.memory_space<vmem>>
        %dma_wait3A_33 = tpu.memref_squeeze %dma_wait3A_32 : memref<1x128x128xf32, #tpu.memory_space<vmem>> -> memref<128x128xf32, #tpu.memory_space<vmem>>
        %dma_wait3A_34 = arith.constant 0 : i32
        %dma_wait3A_35 = tpu.memref_slice %arg9[%scan3A_18, %dma_wait3A_34] : memref<78x128xi32, #tpu.memory_space<vmem>> -> memref<1x128xi32, #tpu.memory_space<vmem>>
        %dma_wait3A_36 = tpu.memref_squeeze %dma_wait3A_35 : memref<1x128xi32, #tpu.memory_space<vmem>> -> memref<128xi32, #tpu.memory_space<vmem>>
        %dma_wait3A_37 = arith.constant 0 : i32
        %dma_wait3A_38 = arith.constant 0 : i32
        %dma_wait3A_39 = tpu.memref_slice %arg2[%dma_wait3A_37, %dma_wait3A_38] : memref<10000x128xf32, #tpu.memory_space<hbm>> -> memref<10000x128xf32, #tpu.memory_space<hbm>>
        tpu.wait_indirect_dma semaphore(%run_scoped3A_21 : memref<!tpu.dma_semaphore, #tpu.memory_space<semaphore_mem>>) src(%dma_wait3A_39 : memref<10000x128xf32, #tpu.memory_space<hbm>>) dst(%dma_wait3A_33 : memref<128x128xf32, #tpu.memory_space<vmem>>)
        tpu.yield
      }) : () -> ()
      %run_scoped3A_20 = arith.constant 0 : i32
      "tpu.region"() ({
        %run_scoped3A_21 = tpu.sem_alloc : memref<!tpu.dma_semaphore, #tpu.memory_space<semaphore_mem>>
        %dma_start3A = arith.constant 0 : i32
        %dma_start3A_22 = arith.constant 0 : i32
        %dma_start3A_23 = tpu.memref_slice %arg13[%run_scoped3A_20, %dma_start3A, %dma_start3A_22] : memref<1x128x128xf32, #tpu.memory_space<vmem>> -> memref<1x128x128xf32, #tpu.memory_space<vmem>>
        %dma_start3A_24 = tpu.memref_squeeze %dma_start3A_23 : memref<1x128x128xf32, #tpu.memory_space<vmem>> -> memref<128x128xf32, #tpu.memory_space<vmem>>
        %dma_start3A_25 = arith.constant 0 : i32
        %dma_start3A_26 = tpu.memref_slice %arg10[%scan3A_18, %dma_start3A_25] : memref<78x128xi32, #tpu.memory_space<vmem>> -> memref<1x128xi32, #tpu.memory_space<vmem>>
        %dma_start3A_27 = tpu.memref_squeeze %dma_start3A_26 : memref<1x128xi32, #tpu.memory_space<vmem>> -> memref<128xi32, #tpu.memory_space<vmem>>
        %dma_start3A_28 = arith.constant 0 : i32
        %dma_start3A_29 = arith.constant 0 : i32
        %dma_start3A_30 = tpu.memref_slice %arg14[%dma_start3A_28, %dma_start3A_29] : memref<10112x128xf32, #tpu.memory_space<vmem_shared>> -> memref<10112x128xf32, #tpu.memory_space<vmem_shared>>
        tpu.enqueue_indirect_dma source(%dma_start3A_24 : memref<128x128xf32, #tpu.memory_space<vmem>>) target(%dma_start3A_30 : memref<10112x128xf32, #tpu.memory_space<vmem_shared>>) offsets(%dma_start3A_27 : memref<128xi32, #tpu.memory_space<vmem>>) semaphore(%run_scoped3A_21 : memref<!tpu.dma_semaphore, #tpu.memory_space<semaphore_mem>>) {add = true}
        %dma_wait3A = arith.constant 0 : i32
        %dma_wait3A_31 = arith.constant 0 : i32
        %dma_wait3A_32 = tpu.memref_slice %arg13[%run_scoped3A_20, %dma_wait3A, %dma_wait3A_31] : memref<1x128x128xf32, #tpu.memory_space<vmem>> -> memref<1x128x128xf32, #tpu.memory_space<vmem>>
        %dma_wait3A_33 = tpu.memref_squeeze %dma_wait3A_32 : memref<1x128x128xf32, #tpu.memory_space<vmem>> -> memref<128x128xf32, #tpu.memory_space<vmem>>
        %dma_wait3A_34 = arith.constant 0 : i32
        %dma_wait3A_35 = tpu.memref_slice %arg10[%scan3A_18, %dma_wait3A_34] : memref<78x128xi32, #tpu.memory_space<vmem>> -> memref<1x128xi32, #tpu.memory_space<vmem>>
        %dma_wait3A_36 = tpu.memref_squeeze %dma_wait3A_35 : memref<1x128xi32, #tpu.memory_space<vmem>> -> memref<128xi32, #tpu.memory_space<vmem>>
        %dma_wait3A_37 = arith.constant 0 : i32
        %dma_wait3A_38 = arith.constant 0 : i32
        %dma_wait3A_39 = tpu.memref_slice %arg14[%dma_wait3A_37, %dma_wait3A_38] : memref<10112x128xf32, #tpu.memory_space<vmem_shared>> -> memref<10112x128xf32, #tpu.memory_space<vmem_shared>>
        tpu.wait_indirect_dma semaphore(%run_scoped3A_21 : memref<!tpu.dma_semaphore, #tpu.memory_space<semaphore_mem>>) src(%dma_wait3A_33 : memref<128x128xf32, #tpu.memory_space<vmem>>) dst(%dma_wait3A_39 : memref<10112x128xf32, #tpu.memory_space<vmem_shared>>)
        tpu.yield
      }) : () -> ()
    }
    %scan3A_9 = arith.constant 78 : i32
    %run_scoped3A = arith.constant 0 : i32
    %run_scoped3A_10 = arith.constant 0 : i32
    "tpu.region"() ({
      %run_scoped3A_18 = tpu.sem_alloc : memref<!tpu.dma_semaphore, #tpu.memory_space<semaphore_mem>>
      %dma_start3A = arith.constant 0 : i32
      %dma_start3A_19 = arith.constant 0 : i32
      %dma_start3A_20 = tpu.memref_slice %arg13[%run_scoped3A_10, %dma_start3A, %dma_start3A_19] : memref<1x128x128xf32, #tpu.memory_space<vmem>> -> memref<1x16x128xf32, #tpu.memory_space<vmem>>
      %dma_start3A_21 = tpu.memref_squeeze %dma_start3A_20 : memref<1x16x128xf32, #tpu.memory_space<vmem>> -> memref<16x128xf32, #tpu.memory_space<vmem>>
      %dma_start3A_22 = arith.constant 0 : i32
      %dma_start3A_23 = tpu.memref_slice %arg11[%run_scoped3A, %dma_start3A_22] : memref<1x16xi32, #tpu.memory_space<vmem>> -> memref<1x16xi32, #tpu.memory_space<vmem>>
      %dma_start3A_24 = tpu.memref_squeeze %dma_start3A_23 : memref<1x16xi32, #tpu.memory_space<vmem>> -> memref<16xi32, #tpu.memory_space<vmem>>
      %dma_start3A_25 = arith.constant 0 : i32
      %dma_start3A_26 = arith.constant 0 : i32
      %dma_start3A_27 = tpu.memref_slice %arg2[%dma_start3A_25, %dma_start3A_26] : memref<10000x128xf32, #tpu.memory_space<hbm>> -> memref<10000x128xf32, #tpu.memory_space<hbm>>
      tpu.enqueue_indirect_dma source(%dma_start3A_27 : memref<10000x128xf32, #tpu.memory_space<hbm>>) target(%dma_start3A_21 : memref<16x128xf32, #tpu.memory_space<vmem>>) offsets(%dma_start3A_24 : memref<16xi32, #tpu.memory_space<vmem>>) semaphore(%run_scoped3A_18 : memref<!tpu.dma_semaphore, #tpu.memory_space<semaphore_mem>>)
      %dma_wait3A = arith.constant 0 : i32
      %dma_wait3A_28 = arith.constant 0 : i32
      %dma_wait3A_29 = tpu.memref_slice %arg13[%run_scoped3A_10, %dma_wait3A, %dma_wait3A_28] : memref<1x128x128xf32, #tpu.memory_space<vmem>> -> memref<1x16x128xf32, #tpu.memory_space<vmem>>
      %dma_wait3A_30 = tpu.memref_squeeze %dma_wait3A_29 : memref<1x16x128xf32, #tpu.memory_space<vmem>> -> memref<16x128xf32, #tpu.memory_space<vmem>>
      %dma_wait3A_31 = arith.constant 0 : i32
      %dma_wait3A_32 = tpu.memref_slice %arg11[%run_scoped3A, %dma_wait3A_31] : memref<1x16xi32, #tpu.memory_space<vmem>> -> memref<1x16xi32, #tpu.memory_space<vmem>>
      %dma_wait3A_33 = tpu.memref_squeeze %dma_wait3A_32 : memref<1x16xi32, #tpu.memory_space<vmem>> -> memref<16xi32, #tpu.memory_space<vmem>>
      %dma_wait3A_34 = arith.constant 0 : i32
      %dma_wait3A_35 = arith.constant 0 : i32
      %dma_wait3A_36 = tpu.memref_slice %arg2[%dma_wait3A_34, %dma_wait3A_35] : memref<10000x128xf32, #tpu.memory_space<hbm>> -> memref<10000x128xf32, #tpu.memory_space<hbm>>
      tpu.wait_indirect_dma semaphore(%run_scoped3A_18 : memref<!tpu.dma_semaphore, #tpu.memory_space<semaphore_mem>>) src(%dma_wait3A_36 : memref<10000x128xf32, #tpu.memory_space<hbm>>) dst(%dma_wait3A_30 : memref<16x128xf32, #tpu.memory_space<vmem>>)
      tpu.yield
    }) : () -> ()
    %run_scoped3A_11 = arith.constant 0 : i32
    %run_scoped3A_12 = arith.constant 0 : i32
    "tpu.region"() ({
      %run_scoped3A_18 = tpu.sem_alloc : memref<!tpu.dma_semaphore, #tpu.memory_space<semaphore_mem>>
      %dma_start3A = arith.constant 0 : i32
      %dma_start3A_19 = arith.constant 0 : i32
      %dma_start3A_20 = tpu.memref_slice %arg13[%run_scoped3A_11, %dma_start3A, %dma_start3A_19] : memref<1x128x128xf32, #tpu.memory_space<vmem>> -> memref<1x16x128xf32, #tpu.memory_space<vmem>>
      %dma_start3A_21 = tpu.memref_squeeze %dma_start3A_20 : memref<1x16x128xf32, #tpu.memory_space<vmem>> -> memref<16x128xf32, #tpu.memory_space<vmem>>
      %dma_start3A_22 = arith.constant 0 : i32
      %dma_start3A_23 = tpu.memref_slice %arg12[%run_scoped3A_12, %dma_start3A_22] : memref<1x16xi32, #tpu.memory_space<vmem>> -> memref<1x16xi32, #tpu.memory_space<vmem>>
      %dma_start3A_24 = tpu.memref_squeeze %dma_start3A_23 : memref<1x16xi32, #tpu.memory_space<vmem>> -> memref<16xi32, #tpu.memory_space<vmem>>
      %dma_start3A_25 = arith.constant 0 : i32
      %dma_start3A_26 = arith.constant 0 : i32
      %dma_start3A_27 = tpu.memref_slice %arg14[%dma_start3A_25, %dma_start3A_26] : memref<10112x128xf32, #tpu.memory_space<vmem_shared>> -> memref<10112x128xf32, #tpu.memory_space<vmem_shared>>
      tpu.enqueue_indirect_dma source(%dma_start3A_21 : memref<16x128xf32, #tpu.memory_space<vmem>>) target(%dma_start3A_27 : memref<10112x128xf32, #tpu.memory_space<vmem_shared>>) offsets(%dma_start3A_24 : memref<16xi32, #tpu.memory_space<vmem>>) semaphore(%run_scoped3A_18 : memref<!tpu.dma_semaphore, #tpu.memory_space<semaphore_mem>>) {add = true}
      %dma_wait3A = arith.constant 0 : i32
      %dma_wait3A_28 = arith.constant 0 : i32
      %dma_wait3A_29 = tpu.memref_slice %arg13[%run_scoped3A_11, %dma_wait3A, %dma_wait3A_28] : memref<1x128x128xf32, #tpu.memory_space<vmem>> -> memref<1x16x128xf32, #tpu.memory_space<vmem>>
      %dma_wait3A_30 = tpu.memref_squeeze %dma_wait3A_29 : memref<1x16x128xf32, #tpu.memory_space<vmem>> -> memref<16x128xf32, #tpu.memory_space<vmem>>
      %dma_wait3A_31 = arith.constant 0 : i32
      %dma_wait3A_32 = tpu.memref_slice %arg12[%run_scoped3A_12, %dma_wait3A_31] : memref<1x16xi32, #tpu.memory_space<vmem>> -> memref<1x16xi32, #tpu.memory_space<vmem>>
      %dma_wait3A_33 = tpu.memref_squeeze %dma_wait3A_32 : memref<1x16xi32, #tpu.memory_space<vmem>> -> memref<16xi32, #tpu.memory_space<vmem>>
      %dma_wait3A_34 = arith.constant 0 : i32
      %dma_wait3A_35 = arith.constant 0 : i32
      %dma_wait3A_36 = tpu.memref_slice %arg14[%dma_wait3A_34, %dma_wait3A_35] : memref<10112x128xf32, #tpu.memory_space<vmem_shared>> -> memref<10112x128xf32, #tpu.memory_space<vmem_shared>>
      tpu.wait_indirect_dma semaphore(%run_scoped3A_18 : memref<!tpu.dma_semaphore, #tpu.memory_space<semaphore_mem>>) src(%dma_wait3A_30 : memref<16x128xf32, #tpu.memory_space<vmem>>) dst(%dma_wait3A_36 : memref<10112x128xf32, #tpu.memory_space<vmem_shared>>)
      tpu.yield
    }) : () -> ()
    %barrier3A_13 = arith.constant 0 : index
    tpu.barrier barrier_id(%barrier3A_13)
    %mul3A_14 = arith.constant 632 : i32
    %mul3A_15 = arith.muli %arg1, %mul3A_14 : i32
    %mul3A_16 = arith.constant 632 : i32
    %mul3A_17 = arith.muli %arg1, %mul3A_16 : i32
    "tpu.region"() ({
      %run_scoped3A_18 = tpu.sem_alloc : memref<!tpu.dma_semaphore, #tpu.memory_space<semaphore_mem>>
      %dma_start3A = arith.constant 0 : i32
      %dma_start3A_19 = tpu.memref_slice %arg8[%arg0, %mul3A_17, %dma_start3A] : memref<2x10112x128xf32, #tpu.memory_space<hbm>> -> memref<1x632x128xf32, #tpu.memory_space<hbm>>
      %dma_start3A_20 = tpu.memref_squeeze %dma_start3A_19 : memref<1x632x128xf32, #tpu.memory_space<hbm>> -> memref<632x128xf32, #tpu.memory_space<hbm>>
      %dma_start3A_21 = arith.constant 0 : i32
      %dma_start3A_22 = tpu.memref_slice %arg14[%mul3A_15, %dma_start3A_21] : memref<10112x128xf32, #tpu.memory_space<vmem_shared>> -> memref<632x128xf32, #tpu.memory_space<vmem_shared>>
      tpu.enqueue_dma source(%dma_start3A_22 : memref<632x128xf32, #tpu.memory_space<vmem_shared>>) target(%dma_start3A_20 : memref<632x128xf32, #tpu.memory_space<hbm>>) target_semaphore(%run_scoped3A_18 : memref<!tpu.dma_semaphore, #tpu.memory_space<semaphore_mem>>)
      %dma_wait3A = arith.constant 0 : i32
      %dma_wait3A_23 = tpu.memref_slice %arg8[%arg0, %mul3A_17, %dma_wait3A] : memref<2x10112x128xf32, #tpu.memory_space<hbm>> -> memref<1x632x128xf32, #tpu.memory_space<hbm>>
      %dma_wait3A_24 = tpu.memref_squeeze %dma_wait3A_23 : memref<1x632x128xf32, #tpu.memory_space<hbm>> -> memref<632x128xf32, #tpu.memory_space<hbm>>
      %dma_wait3A_25 = arith.constant 0 : i32
      %dma_wait3A_26 = tpu.memref_slice %arg14[%mul3A_15, %dma_wait3A_25] : memref<10112x128xf32, #tpu.memory_space<vmem_shared>> -> memref<632x128xf32, #tpu.memory_space<vmem_shared>>
      tpu.wait_dma2 semaphore(%run_scoped3A_18 : memref<!tpu.dma_semaphore, #tpu.memory_space<semaphore_mem>>) src(%dma_wait3A_26 : memref<632x128xf32, #tpu.memory_space<vmem_shared>>) dst(%dma_wait3A_24 : memref<632x128xf32, #tpu.memory_space<hbm>>)
      tpu.yield
    }) : () -> ()
    return
  }
}

#map = affine_map<(d0, d1) -> (0, 0, 0)>
#map1 = affine_map<(d0, d1) -> (0, 0)>
module attributes {stable_mosaic.version = 14 : i64} {
  func.func @_deg_kernel(%arg0: i32, %arg1: i32, %arg2: memref<32x78x128xi32, #tpu.memory_space<hbm>>, %arg3: memref<32x1x16xi32, #tpu.memory_space<hbm>>, %arg4: memref<128x128xf32, #tpu.memory_space<hbm>>, %arg5: memref<10112x128xf32, #tpu.memory_space<hbm>>, %arg6: memref<2x10112x128xf32, #tpu.memory_space<hbm>>, %arg7: memref<78x128xi32, #tpu.memory_space<vmem>>, %arg8: memref<1x16xi32, #tpu.memory_space<vmem>>, %arg9: memref<128x128xf32, #tpu.memory_space<vmem>>, %arg10: memref<10112x128xf32, #tpu.memory_space<vmem_shared>>, %arg11: memref<!tpu.dma_semaphore, #tpu.memory_space<semaphore_mem>>) attributes {dimension_semantics = [#tpu.dimension_semantics<core_parallel>, #tpu.dimension_semantics<subcore_parallel>], iteration_bounds = array<i64: 2, 16>, scalar_prefetch = 0 : i64, scratch_operands = 5 : i64, tpu.core_type = #tpu.core_type<sc_vector_subcore>, window_params = [{transform_indices = #map}, {transform_indices = #map}, {transform_indices = #map1}, {transform_indices = #map1}, {transform_indices = #map}]} {
    %mul3A = arith.constant 2 : i32
    %mul3A_0 = arith.muli %arg1, %mul3A : i32
    %add3A = arith.addi %mul3A_0, %arg0 : i32
    "tpu.region"() ({
      %run_scoped3A = tpu.sem_alloc : memref<!tpu.dma_semaphore, #tpu.memory_space<semaphore_mem>>
      tpu.enqueue_dma source(%arg4 : memref<128x128xf32, #tpu.memory_space<hbm>>) target(%arg9 : memref<128x128xf32, #tpu.memory_space<vmem>>) target_semaphore(%run_scoped3A : memref<!tpu.dma_semaphore, #tpu.memory_space<semaphore_mem>>)
      tpu.wait_dma2 semaphore(%run_scoped3A : memref<!tpu.dma_semaphore, #tpu.memory_space<semaphore_mem>>) src(%arg4 : memref<128x128xf32, #tpu.memory_space<hbm>>) dst(%arg9 : memref<128x128xf32, #tpu.memory_space<vmem>>)
      tpu.yield
    }) : () -> ()
    "tpu.region"() ({
      %run_scoped3A = tpu.sem_alloc : memref<!tpu.dma_semaphore, #tpu.memory_space<semaphore_mem>>
      %dma_start3A_39 = arith.constant 0 : i32
      %dma_start3A_40 = arith.constant 0 : i32
      %dma_start3A_41 = tpu.memref_slice %arg2[%add3A, %dma_start3A_39, %dma_start3A_40] : memref<32x78x128xi32, #tpu.memory_space<hbm>> -> memref<1x78x128xi32, #tpu.memory_space<hbm>>
      %dma_start3A_42 = tpu.memref_squeeze %dma_start3A_41 : memref<1x78x128xi32, #tpu.memory_space<hbm>> -> memref<78x128xi32, #tpu.memory_space<hbm>>
      %dma_start3A_43 = arith.constant 0 : i32
      %dma_start3A_44 = arith.constant 0 : i32
      %dma_start3A_45 = tpu.memref_slice %arg2[%add3A, %dma_start3A_43, %dma_start3A_44] : memref<32x78x128xi32, #tpu.memory_space<hbm>> -> memref<1x78x128xi32, #tpu.memory_space<hbm>>
      %dma_start3A_46 = tpu.memref_squeeze %dma_start3A_45 : memref<1x78x128xi32, #tpu.memory_space<hbm>> -> memref<78x128xi32, #tpu.memory_space<hbm>>
      tpu.enqueue_dma source(%dma_start3A_46 : memref<78x128xi32, #tpu.memory_space<hbm>>) target(%arg7 : memref<78x128xi32, #tpu.memory_space<vmem>>) target_semaphore(%run_scoped3A : memref<!tpu.dma_semaphore, #tpu.memory_space<semaphore_mem>>)
      %dma_wait3A_47 = arith.constant 0 : i32
      %dma_wait3A_48 = arith.constant 0 : i32
      %dma_wait3A_49 = tpu.memref_slice %arg2[%add3A, %dma_wait3A_47, %dma_wait3A_48] : memref<32x78x128xi32, #tpu.memory_space<hbm>> -> memref<1x78x128xi32, #tpu.memory_space<hbm>>
      %dma_wait3A_50 = tpu.memref_squeeze %dma_wait3A_49 : memref<1x78x128xi32, #tpu.memory_space<hbm>> -> memref<78x128xi32, #tpu.memory_space<hbm>>
      %dma_wait3A_51 = arith.constant 0 : i32
      %dma_wait3A_52 = arith.constant 0 : i32
      %dma_wait3A_53 = tpu.memref_slice %arg2[%add3A, %dma_wait3A_51, %dma_wait3A_52] : memref<32x78x128xi32, #tpu.memory_space<hbm>> -> memref<1x78x128xi32, #tpu.memory_space<hbm>>
      %dma_wait3A_54 = tpu.memref_squeeze %dma_wait3A_53 : memref<1x78x128xi32, #tpu.memory_space<hbm>> -> memref<78x128xi32, #tpu.memory_space<hbm>>
      tpu.wait_dma2 semaphore(%run_scoped3A : memref<!tpu.dma_semaphore, #tpu.memory_space<semaphore_mem>>) src(%dma_wait3A_54 : memref<78x128xi32, #tpu.memory_space<hbm>>) dst(%arg7 : memref<78x128xi32, #tpu.memory_space<vmem>>)
      tpu.yield
    }) : () -> ()
    "tpu.region"() ({
      %run_scoped3A = tpu.sem_alloc : memref<!tpu.dma_semaphore, #tpu.memory_space<semaphore_mem>>
      %dma_start3A_39 = arith.constant 0 : i32
      %dma_start3A_40 = arith.constant 0 : i32
      %dma_start3A_41 = tpu.memref_slice %arg3[%add3A, %dma_start3A_39, %dma_start3A_40] : memref<32x1x16xi32, #tpu.memory_space<hbm>> -> memref<1x1x16xi32, #tpu.memory_space<hbm>>
      %dma_start3A_42 = tpu.memref_squeeze %dma_start3A_41 : memref<1x1x16xi32, #tpu.memory_space<hbm>> -> memref<1x16xi32, #tpu.memory_space<hbm>>
      %dma_start3A_43 = arith.constant 0 : i32
      %dma_start3A_44 = arith.constant 0 : i32
      %dma_start3A_45 = tpu.memref_slice %arg3[%add3A, %dma_start3A_43, %dma_start3A_44] : memref<32x1x16xi32, #tpu.memory_space<hbm>> -> memref<1x1x16xi32, #tpu.memory_space<hbm>>
      %dma_start3A_46 = tpu.memref_squeeze %dma_start3A_45 : memref<1x1x16xi32, #tpu.memory_space<hbm>> -> memref<1x16xi32, #tpu.memory_space<hbm>>
      tpu.enqueue_dma source(%dma_start3A_46 : memref<1x16xi32, #tpu.memory_space<hbm>>) target(%arg8 : memref<1x16xi32, #tpu.memory_space<vmem>>) target_semaphore(%run_scoped3A : memref<!tpu.dma_semaphore, #tpu.memory_space<semaphore_mem>>)
      %dma_wait3A_47 = arith.constant 0 : i32
      %dma_wait3A_48 = arith.constant 0 : i32
      %dma_wait3A_49 = tpu.memref_slice %arg3[%add3A, %dma_wait3A_47, %dma_wait3A_48] : memref<32x1x16xi32, #tpu.memory_space<hbm>> -> memref<1x1x16xi32, #tpu.memory_space<hbm>>
      %dma_wait3A_50 = tpu.memref_squeeze %dma_wait3A_49 : memref<1x1x16xi32, #tpu.memory_space<hbm>> -> memref<1x16xi32, #tpu.memory_space<hbm>>
      %dma_wait3A_51 = arith.constant 0 : i32
      %dma_wait3A_52 = arith.constant 0 : i32
      %dma_wait3A_53 = tpu.memref_slice %arg3[%add3A, %dma_wait3A_51, %dma_wait3A_52] : memref<32x1x16xi32, #tpu.memory_space<hbm>> -> memref<1x1x16xi32, #tpu.memory_space<hbm>>
      %dma_wait3A_54 = tpu.memref_squeeze %dma_wait3A_53 : memref<1x1x16xi32, #tpu.memory_space<hbm>> -> memref<1x16xi32, #tpu.memory_space<hbm>>
      tpu.wait_dma2 semaphore(%run_scoped3A : memref<!tpu.dma_semaphore, #tpu.memory_space<semaphore_mem>>) src(%dma_wait3A_54 : memref<1x16xi32, #tpu.memory_space<hbm>>) dst(%arg8 : memref<1x16xi32, #tpu.memory_space<vmem>>)
      tpu.yield
    }) : () -> ()
    %mul3A_1 = arith.constant 632 : i32
    %mul3A_2 = arith.muli %arg1, %mul3A_1 : i32
    %mul3A_3 = arith.constant 632 : i32
    %mul3A_4 = arith.muli %arg1, %mul3A_3 : i32
    "tpu.region"() ({
      %run_scoped3A = tpu.sem_alloc : memref<!tpu.dma_semaphore, #tpu.memory_space<semaphore_mem>>
      %dma_start3A_39 = arith.constant 0 : i32
      %dma_start3A_40 = tpu.memref_slice %arg10[%mul3A_4, %dma_start3A_39] : memref<10112x128xf32, #tpu.memory_space<vmem_shared>> -> memref<632x128xf32, #tpu.memory_space<vmem_shared>>
      %dma_start3A_41 = arith.constant 0 : i32
      %dma_start3A_42 = tpu.memref_slice %arg5[%mul3A_2, %dma_start3A_41] : memref<10112x128xf32, #tpu.memory_space<hbm>> -> memref<632x128xf32, #tpu.memory_space<hbm>>
      tpu.enqueue_dma source(%dma_start3A_42 : memref<632x128xf32, #tpu.memory_space<hbm>>) target(%dma_start3A_40 : memref<632x128xf32, #tpu.memory_space<vmem_shared>>) target_semaphore(%run_scoped3A : memref<!tpu.dma_semaphore, #tpu.memory_space<semaphore_mem>>)
      %dma_wait3A_43 = arith.constant 0 : i32
      %dma_wait3A_44 = tpu.memref_slice %arg10[%mul3A_4, %dma_wait3A_43] : memref<10112x128xf32, #tpu.memory_space<vmem_shared>> -> memref<632x128xf32, #tpu.memory_space<vmem_shared>>
      %dma_wait3A_45 = arith.constant 0 : i32
      %dma_wait3A_46 = tpu.memref_slice %arg5[%mul3A_2, %dma_wait3A_45] : memref<10112x128xf32, #tpu.memory_space<hbm>> -> memref<632x128xf32, #tpu.memory_space<hbm>>
      tpu.wait_dma2 semaphore(%run_scoped3A : memref<!tpu.dma_semaphore, #tpu.memory_space<semaphore_mem>>) src(%dma_wait3A_46 : memref<632x128xf32, #tpu.memory_space<hbm>>) dst(%dma_wait3A_44 : memref<632x128xf32, #tpu.memory_space<vmem_shared>>)
      tpu.yield
    }) : () -> ()
    %barrier3A = arith.constant 0 : index
    tpu.barrier barrier_id(%barrier3A)
    %scan3A = arith.constant 0 : i32
    %scan3A_5 = arith.constant 0 : i32
    %scan3A_6 = arith.constant 78 : i32
    %scan3A_7 = arith.addi %scan3A_5, %scan3A_6 : i32
    %scan3A_8 = arith.constant 1 : i32
    scf.for %scan3A_39 = %scan3A_5 to %scan3A_7 step %scan3A_8  : i32 {
      %dma_start3A_40 = arith.constant 0 : i32
      %dma_start3A_41 = tpu.memref_slice %arg7[%scan3A_39, %dma_start3A_40] : memref<78x128xi32, #tpu.memory_space<vmem>> -> memref<1x128xi32, #tpu.memory_space<vmem>>
      %dma_start3A_42 = tpu.memref_squeeze %dma_start3A_41 : memref<1x128xi32, #tpu.memory_space<vmem>> -> memref<128xi32, #tpu.memory_space<vmem>>
      %dma_start3A_43 = arith.constant 0 : i32
      %dma_start3A_44 = arith.constant 0 : i32
      %dma_start3A_45 = tpu.memref_slice %arg10[%dma_start3A_43, %dma_start3A_44] : memref<10112x128xf32, #tpu.memory_space<vmem_shared>> -> memref<10112x128xf32, #tpu.memory_space<vmem_shared>>
      tpu.enqueue_indirect_dma source(%arg9 : memref<128x128xf32, #tpu.memory_space<vmem>>) target(%dma_start3A_45 : memref<10112x128xf32, #tpu.memory_space<vmem_shared>>) offsets(%dma_start3A_42 : memref<128xi32, #tpu.memory_space<vmem>>) semaphore(%arg11 : memref<!tpu.dma_semaphore, #tpu.memory_space<semaphore_mem>>) {add = true}
    }
    %scan3A_9 = arith.constant 78 : i32
    %dma_start3A = arith.constant 0 : i32
    %dma_start3A_10 = arith.constant 0 : i32
    %dma_start3A_11 = arith.constant 0 : i32
    %dma_start3A_12 = tpu.memref_slice %arg9[%dma_start3A_10, %dma_start3A_11] : memref<128x128xf32, #tpu.memory_space<vmem>> -> memref<16x128xf32, #tpu.memory_space<vmem>>
    %dma_start3A_13 = arith.constant 0 : i32
    %dma_start3A_14 = tpu.memref_slice %arg8[%dma_start3A, %dma_start3A_13] : memref<1x16xi32, #tpu.memory_space<vmem>> -> memref<1x16xi32, #tpu.memory_space<vmem>>
    %dma_start3A_15 = tpu.memref_squeeze %dma_start3A_14 : memref<1x16xi32, #tpu.memory_space<vmem>> -> memref<16xi32, #tpu.memory_space<vmem>>
    %dma_start3A_16 = arith.constant 0 : i32
    %dma_start3A_17 = arith.constant 0 : i32
    %dma_start3A_18 = tpu.memref_slice %arg10[%dma_start3A_16, %dma_start3A_17] : memref<10112x128xf32, #tpu.memory_space<vmem_shared>> -> memref<10112x128xf32, #tpu.memory_space<vmem_shared>>
    tpu.enqueue_indirect_dma source(%dma_start3A_12 : memref<16x128xf32, #tpu.memory_space<vmem>>) target(%dma_start3A_18 : memref<10112x128xf32, #tpu.memory_space<vmem_shared>>) offsets(%dma_start3A_15 : memref<16xi32, #tpu.memory_space<vmem>>) semaphore(%arg11 : memref<!tpu.dma_semaphore, #tpu.memory_space<semaphore_mem>>) {add = true}
    %scan3A_19 = arith.constant 0 : i32
    %scan3A_20 = arith.constant 0 : i32
    %scan3A_21 = arith.constant 78 : i32
    %scan3A_22 = arith.addi %scan3A_20, %scan3A_21 : i32
    %scan3A_23 = arith.constant 1 : i32
    scf.for %scan3A_39 = %scan3A_20 to %scan3A_22 step %scan3A_23  : i32 {
      %dma_wait3A_40 = arith.constant 0 : i32
      %dma_wait3A_41 = tpu.memref_slice %arg7[%scan3A_39, %dma_wait3A_40] : memref<78x128xi32, #tpu.memory_space<vmem>> -> memref<1x128xi32, #tpu.memory_space<vmem>>
      %dma_wait3A_42 = tpu.memref_squeeze %dma_wait3A_41 : memref<1x128xi32, #tpu.memory_space<vmem>> -> memref<128xi32, #tpu.memory_space<vmem>>
      %dma_wait3A_43 = arith.constant 0 : i32
      %dma_wait3A_44 = arith.constant 0 : i32
      %dma_wait3A_45 = tpu.memref_slice %arg10[%dma_wait3A_43, %dma_wait3A_44] : memref<10112x128xf32, #tpu.memory_space<vmem_shared>> -> memref<10112x128xf32, #tpu.memory_space<vmem_shared>>
      tpu.wait_indirect_dma semaphore(%arg11 : memref<!tpu.dma_semaphore, #tpu.memory_space<semaphore_mem>>) src(%arg9 : memref<128x128xf32, #tpu.memory_space<vmem>>) dst(%dma_wait3A_45 : memref<10112x128xf32, #tpu.memory_space<vmem_shared>>)
    }
    %scan3A_24 = arith.constant 78 : i32
    %dma_wait3A = arith.constant 0 : i32
    %dma_wait3A_25 = arith.constant 0 : i32
    %dma_wait3A_26 = arith.constant 0 : i32
    %dma_wait3A_27 = tpu.memref_slice %arg9[%dma_wait3A_25, %dma_wait3A_26] : memref<128x128xf32, #tpu.memory_space<vmem>> -> memref<16x128xf32, #tpu.memory_space<vmem>>
    %dma_wait3A_28 = arith.constant 0 : i32
    %dma_wait3A_29 = tpu.memref_slice %arg8[%dma_wait3A, %dma_wait3A_28] : memref<1x16xi32, #tpu.memory_space<vmem>> -> memref<1x16xi32, #tpu.memory_space<vmem>>
    %dma_wait3A_30 = tpu.memref_squeeze %dma_wait3A_29 : memref<1x16xi32, #tpu.memory_space<vmem>> -> memref<16xi32, #tpu.memory_space<vmem>>
    %dma_wait3A_31 = arith.constant 0 : i32
    %dma_wait3A_32 = arith.constant 0 : i32
    %dma_wait3A_33 = tpu.memref_slice %arg10[%dma_wait3A_31, %dma_wait3A_32] : memref<10112x128xf32, #tpu.memory_space<vmem_shared>> -> memref<10112x128xf32, #tpu.memory_space<vmem_shared>>
    tpu.wait_indirect_dma semaphore(%arg11 : memref<!tpu.dma_semaphore, #tpu.memory_space<semaphore_mem>>) src(%dma_wait3A_27 : memref<16x128xf32, #tpu.memory_space<vmem>>) dst(%dma_wait3A_33 : memref<10112x128xf32, #tpu.memory_space<vmem_shared>>)
    %barrier3A_34 = arith.constant 0 : index
    tpu.barrier barrier_id(%barrier3A_34)
    %mul3A_35 = arith.constant 632 : i32
    %mul3A_36 = arith.muli %arg1, %mul3A_35 : i32
    %mul3A_37 = arith.constant 632 : i32
    %mul3A_38 = arith.muli %arg1, %mul3A_37 : i32
    "tpu.region"() ({
      %run_scoped3A = tpu.sem_alloc : memref<!tpu.dma_semaphore, #tpu.memory_space<semaphore_mem>>
      %dma_start3A_39 = arith.constant 0 : i32
      %dma_start3A_40 = tpu.memref_slice %arg6[%arg0, %mul3A_38, %dma_start3A_39] : memref<2x10112x128xf32, #tpu.memory_space<hbm>> -> memref<1x632x128xf32, #tpu.memory_space<hbm>>
      %dma_start3A_41 = tpu.memref_squeeze %dma_start3A_40 : memref<1x632x128xf32, #tpu.memory_space<hbm>> -> memref<632x128xf32, #tpu.memory_space<hbm>>
      %dma_start3A_42 = arith.constant 0 : i32
      %dma_start3A_43 = tpu.memref_slice %arg10[%mul3A_36, %dma_start3A_42] : memref<10112x128xf32, #tpu.memory_space<vmem_shared>> -> memref<632x128xf32, #tpu.memory_space<vmem_shared>>
      tpu.enqueue_dma source(%dma_start3A_43 : memref<632x128xf32, #tpu.memory_space<vmem_shared>>) target(%dma_start3A_41 : memref<632x128xf32, #tpu.memory_space<hbm>>) target_semaphore(%run_scoped3A : memref<!tpu.dma_semaphore, #tpu.memory_space<semaphore_mem>>)
      %dma_wait3A_44 = arith.constant 0 : i32
      %dma_wait3A_45 = tpu.memref_slice %arg6[%arg0, %mul3A_38, %dma_wait3A_44] : memref<2x10112x128xf32, #tpu.memory_space<hbm>> -> memref<1x632x128xf32, #tpu.memory_space<hbm>>
      %dma_wait3A_46 = tpu.memref_squeeze %dma_wait3A_45 : memref<1x632x128xf32, #tpu.memory_space<hbm>> -> memref<632x128xf32, #tpu.memory_space<hbm>>
      %dma_wait3A_47 = arith.constant 0 : i32
      %dma_wait3A_48 = tpu.memref_slice %arg10[%mul3A_36, %dma_wait3A_47] : memref<10112x128xf32, #tpu.memory_space<vmem_shared>> -> memref<632x128xf32, #tpu.memory_space<vmem_shared>>
      tpu.wait_dma2 semaphore(%run_scoped3A : memref<!tpu.dma_semaphore, #tpu.memory_space<semaphore_mem>>) src(%dma_wait3A_48 : memref<632x128xf32, #tpu.memory_space<vmem_shared>>) dst(%dma_wait3A_46 : memref<632x128xf32, #tpu.memory_space<hbm>>)
      tpu.yield
    }) : () -> ()
    return
  }
}

#map = affine_map<(d0, d1) -> (0, 0)>
#map1 = affine_map<(d0, d1) -> (0, 0, 0)>
module attributes {stable_mosaic.version = 14 : i64} {
  func.func @agg(%arg0: i32, %arg1: i32, %arg2: memref<10000x128xf32, #tpu.memory_space<hbm>>, %arg3: memref<32x78x128xi32, #tpu.memory_space<hbm>>, %arg4: memref<32x78x128xi32, #tpu.memory_space<hbm>>, %arg5: memref<32x1x16xi32, #tpu.memory_space<hbm>>, %arg6: memref<32x1x16xi32, #tpu.memory_space<hbm>>, %arg7: memref<10112x128xf32, #tpu.memory_space<hbm>>, %arg8: memref<2x10112x128xf32, #tpu.memory_space<hbm>>, %arg9: memref<78x128xi32, #tpu.memory_space<vmem>>, %arg10: memref<78x128xi32, #tpu.memory_space<vmem>>, %arg11: memref<1x16xi32, #tpu.memory_space<vmem>>, %arg12: memref<1x16xi32, #tpu.memory_space<vmem>>, %arg13: memref<1x128x128xf32, #tpu.memory_space<vmem>>, %arg14: memref<10112x128xf32, #tpu.memory_space<vmem_shared>>) attributes {dimension_semantics = [#tpu.dimension_semantics<core_parallel>, #tpu.dimension_semantics<subcore_parallel>], iteration_bounds = array<i64: 2, 16>, scalar_prefetch = 0 : i64, scratch_operands = 6 : i64, tpu.core_type = #tpu.core_type<sc_vector_subcore>, window_params = [{transform_indices = #map}, {transform_indices = #map1}, {transform_indices = #map1}, {transform_indices = #map1}, {transform_indices = #map1}, {transform_indices = #map}, {transform_indices = #map1}]} {
    %mul3A = arith.constant 2 : i32
    %mul3A_0 = arith.muli %arg1, %mul3A : i32
    %add3A = arith.addi %mul3A_0, %arg0 : i32
    "tpu.region"() ({
      %run_scoped3A_18 = tpu.sem_alloc : memref<!tpu.dma_semaphore, #tpu.memory_space<semaphore_mem>>
      %dma_start3A = arith.constant 0 : i32
      %dma_start3A_19 = arith.constant 0 : i32
      %dma_start3A_20 = tpu.memref_slice %arg3[%add3A, %dma_start3A, %dma_start3A_19] : memref<32x78x128xi32, #tpu.memory_space<hbm>> -> memref<1x78x128xi32, #tpu.memory_space<hbm>>
      %dma_start3A_21 = tpu.memref_squeeze %dma_start3A_20 : memref<1x78x128xi32, #tpu.memory_space<hbm>> -> memref<78x128xi32, #tpu.memory_space<hbm>>
      %dma_start3A_22 = arith.constant 0 : i32
      %dma_start3A_23 = arith.constant 0 : i32
      %dma_start3A_24 = tpu.memref_slice %arg3[%add3A, %dma_start3A_22, %dma_start3A_23] : memref<32x78x128xi32, #tpu.memory_space<hbm>> -> memref<1x78x128xi32, #tpu.memory_space<hbm>>
      %dma_start3A_25 = tpu.memref_squeeze %dma_start3A_24 : memref<1x78x128xi32, #tpu.memory_space<hbm>> -> memref<78x128xi32, #tpu.memory_space<hbm>>
      tpu.enqueue_dma source(%dma_start3A_25 : memref<78x128xi32, #tpu.memory_space<hbm>>) target(%arg9 : memref<78x128xi32, #tpu.memory_space<vmem>>) target_semaphore(%run_scoped3A_18 : memref<!tpu.dma_semaphore, #tpu.memory_space<semaphore_mem>>)
      %dma_wait3A = arith.constant 0 : i32
      %dma_wait3A_26 = arith.constant 0 : i32
      %dma_wait3A_27 = tpu.memref_slice %arg3[%add3A, %dma_wait3A, %dma_wait3A_26] : memref<32x78x128xi32, #tpu.memory_space<hbm>> -> memref<1x78x128xi32, #tpu.memory_space<hbm>>
      %dma_wait3A_28 = tpu.memref_squeeze %dma_wait3A_27 : memref<1x78x128xi32, #tpu.memory_space<hbm>> -> memref<78x128xi32, #tpu.memory_space<hbm>>
      %dma_wait3A_29 = arith.constant 0 : i32
      %dma_wait3A_30 = arith.constant 0 : i32
      %dma_wait3A_31 = tpu.memref_slice %arg3[%add3A, %dma_wait3A_29, %dma_wait3A_30] : memref<32x78x128xi32, #tpu.memory_space<hbm>> -> memref<1x78x128xi32, #tpu.memory_space<hbm>>
      %dma_wait3A_32 = tpu.memref_squeeze %dma_wait3A_31 : memref<1x78x128xi32, #tpu.memory_space<hbm>> -> memref<78x128xi32, #tpu.memory_space<hbm>>
      tpu.wait_dma2 semaphore(%run_scoped3A_18 : memref<!tpu.dma_semaphore, #tpu.memory_space<semaphore_mem>>) src(%dma_wait3A_32 : memref<78x128xi32, #tpu.memory_space<hbm>>) dst(%arg9 : memref<78x128xi32, #tpu.memory_space<vmem>>)
      tpu.yield
    }) : () -> ()
    "tpu.region"() ({
      %run_scoped3A_18 = tpu.sem_alloc : memref<!tpu.dma_semaphore, #tpu.memory_space<semaphore_mem>>
      %dma_start3A = arith.constant 0 : i32
      %dma_start3A_19 = arith.constant 0 : i32
      %dma_start3A_20 = tpu.memref_slice %arg4[%add3A, %dma_start3A, %dma_start3A_19] : memref<32x78x128xi32, #tpu.memory_space<hbm>> -> memref<1x78x128xi32, #tpu.memory_space<hbm>>
      %dma_start3A_21 = tpu.memref_squeeze %dma_start3A_20 : memref<1x78x128xi32, #tpu.memory_space<hbm>> -> memref<78x128xi32, #tpu.memory_space<hbm>>
      %dma_start3A_22 = arith.constant 0 : i32
      %dma_start3A_23 = arith.constant 0 : i32
      %dma_start3A_24 = tpu.memref_slice %arg4[%add3A, %dma_start3A_22, %dma_start3A_23] : memref<32x78x128xi32, #tpu.memory_space<hbm>> -> memref<1x78x128xi32, #tpu.memory_space<hbm>>
      %dma_start3A_25 = tpu.memref_squeeze %dma_start3A_24 : memref<1x78x128xi32, #tpu.memory_space<hbm>> -> memref<78x128xi32, #tpu.memory_space<hbm>>
      tpu.enqueue_dma source(%dma_start3A_25 : memref<78x128xi32, #tpu.memory_space<hbm>>) target(%arg10 : memref<78x128xi32, #tpu.memory_space<vmem>>) target_semaphore(%run_scoped3A_18 : memref<!tpu.dma_semaphore, #tpu.memory_space<semaphore_mem>>)
      %dma_wait3A = arith.constant 0 : i32
      %dma_wait3A_26 = arith.constant 0 : i32
      %dma_wait3A_27 = tpu.memref_slice %arg4[%add3A, %dma_wait3A, %dma_wait3A_26] : memref<32x78x128xi32, #tpu.memory_space<hbm>> -> memref<1x78x128xi32, #tpu.memory_space<hbm>>
      %dma_wait3A_28 = tpu.memref_squeeze %dma_wait3A_27 : memref<1x78x128xi32, #tpu.memory_space<hbm>> -> memref<78x128xi32, #tpu.memory_space<hbm>>
      %dma_wait3A_29 = arith.constant 0 : i32
      %dma_wait3A_30 = arith.constant 0 : i32
      %dma_wait3A_31 = tpu.memref_slice %arg4[%add3A, %dma_wait3A_29, %dma_wait3A_30] : memref<32x78x128xi32, #tpu.memory_space<hbm>> -> memref<1x78x128xi32, #tpu.memory_space<hbm>>
      %dma_wait3A_32 = tpu.memref_squeeze %dma_wait3A_31 : memref<1x78x128xi32, #tpu.memory_space<hbm>> -> memref<78x128xi32, #tpu.memory_space<hbm>>
      tpu.wait_dma2 semaphore(%run_scoped3A_18 : memref<!tpu.dma_semaphore, #tpu.memory_space<semaphore_mem>>) src(%dma_wait3A_32 : memref<78x128xi32, #tpu.memory_space<hbm>>) dst(%arg10 : memref<78x128xi32, #tpu.memory_space<vmem>>)
      tpu.yield
    }) : () -> ()
    "tpu.region"() ({
      %run_scoped3A_18 = tpu.sem_alloc : memref<!tpu.dma_semaphore, #tpu.memory_space<semaphore_mem>>
      %dma_start3A = arith.constant 0 : i32
      %dma_start3A_19 = arith.constant 0 : i32
      %dma_start3A_20 = tpu.memref_slice %arg5[%add3A, %dma_start3A, %dma_start3A_19] : memref<32x1x16xi32, #tpu.memory_space<hbm>> -> memref<1x1x16xi32, #tpu.memory_space<hbm>>
      %dma_start3A_21 = tpu.memref_squeeze %dma_start3A_20 : memref<1x1x16xi32, #tpu.memory_space<hbm>> -> memref<1x16xi32, #tpu.memory_space<hbm>>
      %dma_start3A_22 = arith.constant 0 : i32
      %dma_start3A_23 = arith.constant 0 : i32
      %dma_start3A_24 = tpu.memref_slice %arg5[%add3A, %dma_start3A_22, %dma_start3A_23] : memref<32x1x16xi32, #tpu.memory_space<hbm>> -> memref<1x1x16xi32, #tpu.memory_space<hbm>>
      %dma_start3A_25 = tpu.memref_squeeze %dma_start3A_24 : memref<1x1x16xi32, #tpu.memory_space<hbm>> -> memref<1x16xi32, #tpu.memory_space<hbm>>
      tpu.enqueue_dma source(%dma_start3A_25 : memref<1x16xi32, #tpu.memory_space<hbm>>) target(%arg11 : memref<1x16xi32, #tpu.memory_space<vmem>>) target_semaphore(%run_scoped3A_18 : memref<!tpu.dma_semaphore, #tpu.memory_space<semaphore_mem>>)
      %dma_wait3A = arith.constant 0 : i32
      %dma_wait3A_26 = arith.constant 0 : i32
      %dma_wait3A_27 = tpu.memref_slice %arg5[%add3A, %dma_wait3A, %dma_wait3A_26] : memref<32x1x16xi32, #tpu.memory_space<hbm>> -> memref<1x1x16xi32, #tpu.memory_space<hbm>>
      %dma_wait3A_28 = tpu.memref_squeeze %dma_wait3A_27 : memref<1x1x16xi32, #tpu.memory_space<hbm>> -> memref<1x16xi32, #tpu.memory_space<hbm>>
      %dma_wait3A_29 = arith.constant 0 : i32
      %dma_wait3A_30 = arith.constant 0 : i32
      %dma_wait3A_31 = tpu.memref_slice %arg5[%add3A, %dma_wait3A_29, %dma_wait3A_30] : memref<32x1x16xi32, #tpu.memory_space<hbm>> -> memref<1x1x16xi32, #tpu.memory_space<hbm>>
      %dma_wait3A_32 = tpu.memref_squeeze %dma_wait3A_31 : memref<1x1x16xi32, #tpu.memory_space<hbm>> -> memref<1x16xi32, #tpu.memory_space<hbm>>
      tpu.wait_dma2 semaphore(%run_scoped3A_18 : memref<!tpu.dma_semaphore, #tpu.memory_space<semaphore_mem>>) src(%dma_wait3A_32 : memref<1x16xi32, #tpu.memory_space<hbm>>) dst(%arg11 : memref<1x16xi32, #tpu.memory_space<vmem>>)
      tpu.yield
    }) : () -> ()
    "tpu.region"() ({
      %run_scoped3A_18 = tpu.sem_alloc : memref<!tpu.dma_semaphore, #tpu.memory_space<semaphore_mem>>
      %dma_start3A = arith.constant 0 : i32
      %dma_start3A_19 = arith.constant 0 : i32
      %dma_start3A_20 = tpu.memref_slice %arg6[%add3A, %dma_start3A, %dma_start3A_19] : memref<32x1x16xi32, #tpu.memory_space<hbm>> -> memref<1x1x16xi32, #tpu.memory_space<hbm>>
      %dma_start3A_21 = tpu.memref_squeeze %dma_start3A_20 : memref<1x1x16xi32, #tpu.memory_space<hbm>> -> memref<1x16xi32, #tpu.memory_space<hbm>>
      %dma_start3A_22 = arith.constant 0 : i32
      %dma_start3A_23 = arith.constant 0 : i32
      %dma_start3A_24 = tpu.memref_slice %arg6[%add3A, %dma_start3A_22, %dma_start3A_23] : memref<32x1x16xi32, #tpu.memory_space<hbm>> -> memref<1x1x16xi32, #tpu.memory_space<hbm>>
      %dma_start3A_25 = tpu.memref_squeeze %dma_start3A_24 : memref<1x1x16xi32, #tpu.memory_space<hbm>> -> memref<1x16xi32, #tpu.memory_space<hbm>>
      tpu.enqueue_dma source(%dma_start3A_25 : memref<1x16xi32, #tpu.memory_space<hbm>>) target(%arg12 : memref<1x16xi32, #tpu.memory_space<vmem>>) target_semaphore(%run_scoped3A_18 : memref<!tpu.dma_semaphore, #tpu.memory_space<semaphore_mem>>)
      %dma_wait3A = arith.constant 0 : i32
      %dma_wait3A_26 = arith.constant 0 : i32
      %dma_wait3A_27 = tpu.memref_slice %arg6[%add3A, %dma_wait3A, %dma_wait3A_26] : memref<32x1x16xi32, #tpu.memory_space<hbm>> -> memref<1x1x16xi32, #tpu.memory_space<hbm>>
      %dma_wait3A_28 = tpu.memref_squeeze %dma_wait3A_27 : memref<1x1x16xi32, #tpu.memory_space<hbm>> -> memref<1x16xi32, #tpu.memory_space<hbm>>
      %dma_wait3A_29 = arith.constant 0 : i32
      %dma_wait3A_30 = arith.constant 0 : i32
      %dma_wait3A_31 = tpu.memref_slice %arg6[%add3A, %dma_wait3A_29, %dma_wait3A_30] : memref<32x1x16xi32, #tpu.memory_space<hbm>> -> memref<1x1x16xi32, #tpu.memory_space<hbm>>
      %dma_wait3A_32 = tpu.memref_squeeze %dma_wait3A_31 : memref<1x1x16xi32, #tpu.memory_space<hbm>> -> memref<1x16xi32, #tpu.memory_space<hbm>>
      tpu.wait_dma2 semaphore(%run_scoped3A_18 : memref<!tpu.dma_semaphore, #tpu.memory_space<semaphore_mem>>) src(%dma_wait3A_32 : memref<1x16xi32, #tpu.memory_space<hbm>>) dst(%arg12 : memref<1x16xi32, #tpu.memory_space<vmem>>)
      tpu.yield
    }) : () -> ()
    %mul3A_1 = arith.constant 632 : i32
    %mul3A_2 = arith.muli %arg1, %mul3A_1 : i32
    %mul3A_3 = arith.constant 632 : i32
    %mul3A_4 = arith.muli %arg1, %mul3A_3 : i32
    "tpu.region"() ({
      %run_scoped3A_18 = tpu.sem_alloc : memref<!tpu.dma_semaphore, #tpu.memory_space<semaphore_mem>>
      %dma_start3A = arith.constant 0 : i32
      %dma_start3A_19 = tpu.memref_slice %arg14[%mul3A_4, %dma_start3A] : memref<10112x128xf32, #tpu.memory_space<vmem_shared>> -> memref<632x128xf32, #tpu.memory_space<vmem_shared>>
      %dma_start3A_20 = arith.constant 0 : i32
      %dma_start3A_21 = tpu.memref_slice %arg7[%mul3A_2, %dma_start3A_20] : memref<10112x128xf32, #tpu.memory_space<hbm>> -> memref<632x128xf32, #tpu.memory_space<hbm>>
      tpu.enqueue_dma source(%dma_start3A_21 : memref<632x128xf32, #tpu.memory_space<hbm>>) target(%dma_start3A_19 : memref<632x128xf32, #tpu.memory_space<vmem_shared>>) target_semaphore(%run_scoped3A_18 : memref<!tpu.dma_semaphore, #tpu.memory_space<semaphore_mem>>)
      %dma_wait3A = arith.constant 0 : i32
      %dma_wait3A_22 = tpu.memref_slice %arg14[%mul3A_4, %dma_wait3A] : memref<10112x128xf32, #tpu.memory_space<vmem_shared>> -> memref<632x128xf32, #tpu.memory_space<vmem_shared>>
      %dma_wait3A_23 = arith.constant 0 : i32
      %dma_wait3A_24 = tpu.memref_slice %arg7[%mul3A_2, %dma_wait3A_23] : memref<10112x128xf32, #tpu.memory_space<hbm>> -> memref<632x128xf32, #tpu.memory_space<hbm>>
      tpu.wait_dma2 semaphore(%run_scoped3A_18 : memref<!tpu.dma_semaphore, #tpu.memory_space<semaphore_mem>>) src(%dma_wait3A_24 : memref<632x128xf32, #tpu.memory_space<hbm>>) dst(%dma_wait3A_22 : memref<632x128xf32, #tpu.memory_space<vmem_shared>>)
      tpu.yield
    }) : () -> ()
    %barrier3A = arith.constant 0 : index
    tpu.barrier barrier_id(%barrier3A)
    %scan3A = arith.constant 0 : i32
    %scan3A_5 = arith.constant 0 : i32
    %scan3A_6 = arith.constant 78 : i32
    %scan3A_7 = arith.addi %scan3A_5, %scan3A_6 : i32
    %scan3A_8 = arith.constant 1 : i32
    scf.for %scan3A_18 = %scan3A_5 to %scan3A_7 step %scan3A_8  : i32 {
      %run_scoped3A_19 = arith.constant 0 : i32
      "tpu.region"() ({
        %run_scoped3A_21 = tpu.sem_alloc : memref<!tpu.dma_semaphore, #tpu.memory_space<semaphore_mem>>
        %dma_start3A = arith.constant 0 : i32
        %dma_start3A_22 = arith.constant 0 : i32
        %dma_start3A_23 = tpu.memref_slice %arg13[%run_scoped3A_19, %dma_start3A, %dma_start3A_22] : memref<1x128x128xf32, #tpu.memory_space<vmem>> -> memref<1x128x128xf32, #tpu.memory_space<vmem>>
        %dma_start3A_24 = tpu.memref_squeeze %dma_start3A_23 : memref<1x128x128xf32, #tpu.memory_space<vmem>> -> memref<128x128xf32, #tpu.memory_space<vmem>>
        %dma_start3A_25 = arith.constant 0 : i32
        %dma_start3A_26 = tpu.memref_slice %arg9[%scan3A_18, %dma_start3A_25] : memref<78x128xi32, #tpu.memory_space<vmem>> -> memref<1x128xi32, #tpu.memory_space<vmem>>
        %dma_start3A_27 = tpu.memref_squeeze %dma_start3A_26 : memref<1x128xi32, #tpu.memory_space<vmem>> -> memref<128xi32, #tpu.memory_space<vmem>>
        %dma_start3A_28 = arith.constant 0 : i32
        %dma_start3A_29 = arith.constant 0 : i32
        %dma_start3A_30 = tpu.memref_slice %arg2[%dma_start3A_28, %dma_start3A_29] : memref<10000x128xf32, #tpu.memory_space<hbm>> -> memref<10000x128xf32, #tpu.memory_space<hbm>>
        tpu.enqueue_indirect_dma source(%dma_start3A_30 : memref<10000x128xf32, #tpu.memory_space<hbm>>) target(%dma_start3A_24 : memref<128x128xf32, #tpu.memory_space<vmem>>) offsets(%dma_start3A_27 : memref<128xi32, #tpu.memory_space<vmem>>) semaphore(%run_scoped3A_21 : memref<!tpu.dma_semaphore, #tpu.memory_space<semaphore_mem>>)
        %dma_wait3A = arith.constant 0 : i32
        %dma_wait3A_31 = arith.constant 0 : i32
        %dma_wait3A_32 = tpu.memref_slice %arg13[%run_scoped3A_19, %dma_wait3A, %dma_wait3A_31] : memref<1x128x128xf32, #tpu.memory_space<vmem>> -> memref<1x128x128xf32, #tpu.memory_space<vmem>>
        %dma_wait3A_33 = tpu.memref_squeeze %dma_wait3A_32 : memref<1x128x128xf32, #tpu.memory_space<vmem>> -> memref<128x128xf32, #tpu.memory_space<vmem>>
        %dma_wait3A_34 = arith.constant 0 : i32
        %dma_wait3A_35 = tpu.memref_slice %arg9[%scan3A_18, %dma_wait3A_34] : memref<78x128xi32, #tpu.memory_space<vmem>> -> memref<1x128xi32, #tpu.memory_space<vmem>>
        %dma_wait3A_36 = tpu.memref_squeeze %dma_wait3A_35 : memref<1x128xi32, #tpu.memory_space<vmem>> -> memref<128xi32, #tpu.memory_space<vmem>>
        %dma_wait3A_37 = arith.constant 0 : i32
        %dma_wait3A_38 = arith.constant 0 : i32
        %dma_wait3A_39 = tpu.memref_slice %arg2[%dma_wait3A_37, %dma_wait3A_38] : memref<10000x128xf32, #tpu.memory_space<hbm>> -> memref<10000x128xf32, #tpu.memory_space<hbm>>
        tpu.wait_indirect_dma semaphore(%run_scoped3A_21 : memref<!tpu.dma_semaphore, #tpu.memory_space<semaphore_mem>>) src(%dma_wait3A_39 : memref<10000x128xf32, #tpu.memory_space<hbm>>) dst(%dma_wait3A_33 : memref<128x128xf32, #tpu.memory_space<vmem>>)
        tpu.yield
      }) : () -> ()
      %run_scoped3A_20 = arith.constant 0 : i32
      "tpu.region"() ({
        %run_scoped3A_21 = tpu.sem_alloc : memref<!tpu.dma_semaphore, #tpu.memory_space<semaphore_mem>>
        %dma_start3A = arith.constant 0 : i32
        %dma_start3A_22 = arith.constant 0 : i32
        %dma_start3A_23 = tpu.memref_slice %arg13[%run_scoped3A_20, %dma_start3A, %dma_start3A_22] : memref<1x128x128xf32, #tpu.memory_space<vmem>> -> memref<1x128x128xf32, #tpu.memory_space<vmem>>
        %dma_start3A_24 = tpu.memref_squeeze %dma_start3A_23 : memref<1x128x128xf32, #tpu.memory_space<vmem>> -> memref<128x128xf32, #tpu.memory_space<vmem>>
        %dma_start3A_25 = arith.constant 0 : i32
        %dma_start3A_26 = tpu.memref_slice %arg10[%scan3A_18, %dma_start3A_25] : memref<78x128xi32, #tpu.memory_space<vmem>> -> memref<1x128xi32, #tpu.memory_space<vmem>>
        %dma_start3A_27 = tpu.memref_squeeze %dma_start3A_26 : memref<1x128xi32, #tpu.memory_space<vmem>> -> memref<128xi32, #tpu.memory_space<vmem>>
        %dma_start3A_28 = arith.constant 0 : i32
        %dma_start3A_29 = arith.constant 0 : i32
        %dma_start3A_30 = tpu.memref_slice %arg14[%dma_start3A_28, %dma_start3A_29] : memref<10112x128xf32, #tpu.memory_space<vmem_shared>> -> memref<10112x128xf32, #tpu.memory_space<vmem_shared>>
        tpu.enqueue_indirect_dma source(%dma_start3A_24 : memref<128x128xf32, #tpu.memory_space<vmem>>) target(%dma_start3A_30 : memref<10112x128xf32, #tpu.memory_space<vmem_shared>>) offsets(%dma_start3A_27 : memref<128xi32, #tpu.memory_space<vmem>>) semaphore(%run_scoped3A_21 : memref<!tpu.dma_semaphore, #tpu.memory_space<semaphore_mem>>) {add = true}
        %dma_wait3A = arith.constant 0 : i32
        %dma_wait3A_31 = arith.constant 0 : i32
        %dma_wait3A_32 = tpu.memref_slice %arg13[%run_scoped3A_20, %dma_wait3A, %dma_wait3A_31] : memref<1x128x128xf32, #tpu.memory_space<vmem>> -> memref<1x128x128xf32, #tpu.memory_space<vmem>>
        %dma_wait3A_33 = tpu.memref_squeeze %dma_wait3A_32 : memref<1x128x128xf32, #tpu.memory_space<vmem>> -> memref<128x128xf32, #tpu.memory_space<vmem>>
        %dma_wait3A_34 = arith.constant 0 : i32
        %dma_wait3A_35 = tpu.memref_slice %arg10[%scan3A_18, %dma_wait3A_34] : memref<78x128xi32, #tpu.memory_space<vmem>> -> memref<1x128xi32, #tpu.memory_space<vmem>>
        %dma_wait3A_36 = tpu.memref_squeeze %dma_wait3A_35 : memref<1x128xi32, #tpu.memory_space<vmem>> -> memref<128xi32, #tpu.memory_space<vmem>>
        %dma_wait3A_37 = arith.constant 0 : i32
        %dma_wait3A_38 = arith.constant 0 : i32
        %dma_wait3A_39 = tpu.memref_slice %arg14[%dma_wait3A_37, %dma_wait3A_38] : memref<10112x128xf32, #tpu.memory_space<vmem_shared>> -> memref<10112x128xf32, #tpu.memory_space<vmem_shared>>
        tpu.wait_indirect_dma semaphore(%run_scoped3A_21 : memref<!tpu.dma_semaphore, #tpu.memory_space<semaphore_mem>>) src(%dma_wait3A_33 : memref<128x128xf32, #tpu.memory_space<vmem>>) dst(%dma_wait3A_39 : memref<10112x128xf32, #tpu.memory_space<vmem_shared>>)
        tpu.yield
      }) : () -> ()
    }
    %scan3A_9 = arith.constant 78 : i32
    %run_scoped3A = arith.constant 0 : i32
    %run_scoped3A_10 = arith.constant 0 : i32
    "tpu.region"() ({
      %run_scoped3A_18 = tpu.sem_alloc : memref<!tpu.dma_semaphore, #tpu.memory_space<semaphore_mem>>
      %dma_start3A = arith.constant 0 : i32
      %dma_start3A_19 = arith.constant 0 : i32
      %dma_start3A_20 = tpu.memref_slice %arg13[%run_scoped3A_10, %dma_start3A, %dma_start3A_19] : memref<1x128x128xf32, #tpu.memory_space<vmem>> -> memref<1x16x128xf32, #tpu.memory_space<vmem>>
      %dma_start3A_21 = tpu.memref_squeeze %dma_start3A_20 : memref<1x16x128xf32, #tpu.memory_space<vmem>> -> memref<16x128xf32, #tpu.memory_space<vmem>>
      %dma_start3A_22 = arith.constant 0 : i32
      %dma_start3A_23 = tpu.memref_slice %arg11[%run_scoped3A, %dma_start3A_22] : memref<1x16xi32, #tpu.memory_space<vmem>> -> memref<1x16xi32, #tpu.memory_space<vmem>>
      %dma_start3A_24 = tpu.memref_squeeze %dma_start3A_23 : memref<1x16xi32, #tpu.memory_space<vmem>> -> memref<16xi32, #tpu.memory_space<vmem>>
      %dma_start3A_25 = arith.constant 0 : i32
      %dma_start3A_26 = arith.constant 0 : i32
      %dma_start3A_27 = tpu.memref_slice %arg2[%dma_start3A_25, %dma_start3A_26] : memref<10000x128xf32, #tpu.memory_space<hbm>> -> memref<10000x128xf32, #tpu.memory_space<hbm>>
      tpu.enqueue_indirect_dma source(%dma_start3A_27 : memref<10000x128xf32, #tpu.memory_space<hbm>>) target(%dma_start3A_21 : memref<16x128xf32, #tpu.memory_space<vmem>>) offsets(%dma_start3A_24 : memref<16xi32, #tpu.memory_space<vmem>>) semaphore(%run_scoped3A_18 : memref<!tpu.dma_semaphore, #tpu.memory_space<semaphore_mem>>)
      %dma_wait3A = arith.constant 0 : i32
      %dma_wait3A_28 = arith.constant 0 : i32
      %dma_wait3A_29 = tpu.memref_slice %arg13[%run_scoped3A_10, %dma_wait3A, %dma_wait3A_28] : memref<1x128x128xf32, #tpu.memory_space<vmem>> -> memref<1x16x128xf32, #tpu.memory_space<vmem>>
      %dma_wait3A_30 = tpu.memref_squeeze %dma_wait3A_29 : memref<1x16x128xf32, #tpu.memory_space<vmem>> -> memref<16x128xf32, #tpu.memory_space<vmem>>
      %dma_wait3A_31 = arith.constant 0 : i32
      %dma_wait3A_32 = tpu.memref_slice %arg11[%run_scoped3A, %dma_wait3A_31] : memref<1x16xi32, #tpu.memory_space<vmem>> -> memref<1x16xi32, #tpu.memory_space<vmem>>
      %dma_wait3A_33 = tpu.memref_squeeze %dma_wait3A_32 : memref<1x16xi32, #tpu.memory_space<vmem>> -> memref<16xi32, #tpu.memory_space<vmem>>
      %dma_wait3A_34 = arith.constant 0 : i32
      %dma_wait3A_35 = arith.constant 0 : i32
      %dma_wait3A_36 = tpu.memref_slice %arg2[%dma_wait3A_34, %dma_wait3A_35] : memref<10000x128xf32, #tpu.memory_space<hbm>> -> memref<10000x128xf32, #tpu.memory_space<hbm>>
      tpu.wait_indirect_dma semaphore(%run_scoped3A_18 : memref<!tpu.dma_semaphore, #tpu.memory_space<semaphore_mem>>) src(%dma_wait3A_36 : memref<10000x128xf32, #tpu.memory_space<hbm>>) dst(%dma_wait3A_30 : memref<16x128xf32, #tpu.memory_space<vmem>>)
      tpu.yield
    }) : () -> ()
    %run_scoped3A_11 = arith.constant 0 : i32
    %run_scoped3A_12 = arith.constant 0 : i32
    "tpu.region"() ({
      %run_scoped3A_18 = tpu.sem_alloc : memref<!tpu.dma_semaphore, #tpu.memory_space<semaphore_mem>>
      %dma_start3A = arith.constant 0 : i32
      %dma_start3A_19 = arith.constant 0 : i32
      %dma_start3A_20 = tpu.memref_slice %arg13[%run_scoped3A_11, %dma_start3A, %dma_start3A_19] : memref<1x128x128xf32, #tpu.memory_space<vmem>> -> memref<1x16x128xf32, #tpu.memory_space<vmem>>
      %dma_start3A_21 = tpu.memref_squeeze %dma_start3A_20 : memref<1x16x128xf32, #tpu.memory_space<vmem>> -> memref<16x128xf32, #tpu.memory_space<vmem>>
      %dma_start3A_22 = arith.constant 0 : i32
      %dma_start3A_23 = tpu.memref_slice %arg12[%run_scoped3A_12, %dma_start3A_22] : memref<1x16xi32, #tpu.memory_space<vmem>> -> memref<1x16xi32, #tpu.memory_space<vmem>>
      %dma_start3A_24 = tpu.memref_squeeze %dma_start3A_23 : memref<1x16xi32, #tpu.memory_space<vmem>> -> memref<16xi32, #tpu.memory_space<vmem>>
      %dma_start3A_25 = arith.constant 0 : i32
      %dma_start3A_26 = arith.constant 0 : i32
      %dma_start3A_27 = tpu.memref_slice %arg14[%dma_start3A_25, %dma_start3A_26] : memref<10112x128xf32, #tpu.memory_space<vmem_shared>> -> memref<10112x128xf32, #tpu.memory_space<vmem_shared>>
      tpu.enqueue_indirect_dma source(%dma_start3A_21 : memref<16x128xf32, #tpu.memory_space<vmem>>) target(%dma_start3A_27 : memref<10112x128xf32, #tpu.memory_space<vmem_shared>>) offsets(%dma_start3A_24 : memref<16xi32, #tpu.memory_space<vmem>>) semaphore(%run_scoped3A_18 : memref<!tpu.dma_semaphore, #tpu.memory_space<semaphore_mem>>) {add = true}
      %dma_wait3A = arith.constant 0 : i32
      %dma_wait3A_28 = arith.constant 0 : i32
      %dma_wait3A_29 = tpu.memref_slice %arg13[%run_scoped3A_11, %dma_wait3A, %dma_wait3A_28] : memref<1x128x128xf32, #tpu.memory_space<vmem>> -> memref<1x16x128xf32, #tpu.memory_space<vmem>>
      %dma_wait3A_30 = tpu.memref_squeeze %dma_wait3A_29 : memref<1x16x128xf32, #tpu.memory_space<vmem>> -> memref<16x128xf32, #tpu.memory_space<vmem>>
      %dma_wait3A_31 = arith.constant 0 : i32
      %dma_wait3A_32 = tpu.memref_slice %arg12[%run_scoped3A_12, %dma_wait3A_31] : memref<1x16xi32, #tpu.memory_space<vmem>> -> memref<1x16xi32, #tpu.memory_space<vmem>>
      %dma_wait3A_33 = tpu.memref_squeeze %dma_wait3A_32 : memref<1x16xi32, #tpu.memory_space<vmem>> -> memref<16xi32, #tpu.memory_space<vmem>>
      %dma_wait3A_34 = arith.constant 0 : i32
      %dma_wait3A_35 = arith.constant 0 : i32
      %dma_wait3A_36 = tpu.memref_slice %arg14[%dma_wait3A_34, %dma_wait3A_35] : memref<10112x128xf32, #tpu.memory_space<vmem_shared>> -> memref<10112x128xf32, #tpu.memory_space<vmem_shared>>
      tpu.wait_indirect_dma semaphore(%run_scoped3A_18 : memref<!tpu.dma_semaphore, #tpu.memory_space<semaphore_mem>>) src(%dma_wait3A_30 : memref<16x128xf32, #tpu.memory_space<vmem>>) dst(%dma_wait3A_36 : memref<10112x128xf32, #tpu.memory_space<vmem_shared>>)
      tpu.yield
    }) : () -> ()
    %barrier3A_13 = arith.constant 0 : index
    tpu.barrier barrier_id(%barrier3A_13)
    %mul3A_14 = arith.constant 632 : i32
    %mul3A_15 = arith.muli %arg1, %mul3A_14 : i32
    %mul3A_16 = arith.constant 632 : i32
    %mul3A_17 = arith.muli %arg1, %mul3A_16 : i32
    "tpu.region"() ({
      %run_scoped3A_18 = tpu.sem_alloc : memref<!tpu.dma_semaphore, #tpu.memory_space<semaphore_mem>>
      %dma_start3A = arith.constant 0 : i32
      %dma_start3A_19 = tpu.memref_slice %arg8[%arg0, %mul3A_17, %dma_start3A] : memref<2x10112x128xf32, #tpu.memory_space<hbm>> -> memref<1x632x128xf32, #tpu.memory_space<hbm>>
      %dma_start3A_20 = tpu.memref_squeeze %dma_start3A_19 : memref<1x632x128xf32, #tpu.memory_space<hbm>> -> memref<632x128xf32, #tpu.memory_space<hbm>>
      %dma_start3A_21 = arith.constant 0 : i32
      %dma_start3A_22 = tpu.memref_slice %arg14[%mul3A_15, %dma_start3A_21] : memref<10112x128xf32, #tpu.memory_space<vmem_shared>> -> memref<632x128xf32, #tpu.memory_space<vmem_shared>>
      tpu.enqueue_dma source(%dma_start3A_22 : memref<632x128xf32, #tpu.memory_space<vmem_shared>>) target(%dma_start3A_20 : memref<632x128xf32, #tpu.memory_space<hbm>>) target_semaphore(%run_scoped3A_18 : memref<!tpu.dma_semaphore, #tpu.memory_space<semaphore_mem>>)
      %dma_wait3A = arith.constant 0 : i32
      %dma_wait3A_23 = tpu.memref_slice %arg8[%arg0, %mul3A_17, %dma_wait3A] : memref<2x10112x128xf32, #tpu.memory_space<hbm>> -> memref<1x632x128xf32, #tpu.memory_space<hbm>>
      %dma_wait3A_24 = tpu.memref_squeeze %dma_wait3A_23 : memref<1x632x128xf32, #tpu.memory_space<hbm>> -> memref<632x128xf32, #tpu.memory_space<hbm>>
      %dma_wait3A_25 = arith.constant 0 : i32
      %dma_wait3A_26 = tpu.memref_slice %arg14[%mul3A_15, %dma_wait3A_25] : memref<10112x128xf32, #tpu.memory_space<vmem_shared>> -> memref<632x128xf32, #tpu.memory_space<vmem_shared>>
      tpu.wait_dma2 semaphore(%run_scoped3A_18 : memref<!tpu.dma_semaphore, #tpu.memory_space<semaphore_mem>>) src(%dma_wait3A_26 : memref<632x128xf32, #tpu.memory_space<vmem_shared>>) dst(%dma_wait3A_24 : memref<632x128xf32, #tpu.memory_space<hbm>>)
      tpu.yield
    }) : () -> ()
    return
  }
}

module attributes {stable_mosaic.version = 14 : i64} {
  func.func @_g1_body(%arg0: i32, %arg1: memref<1000x128xf32, #tpu.memory_space<vmem>>, %arg2: memref<1000x128xf32, #tpu.memory_space<vmem>>, %arg3: memref<1000x128xf32, #tpu.memory_space<vmem>>, %arg4: memref<128x128xf32, #tpu.memory_space<vmem>>, %arg5: memref<1000x128xf32, #tpu.memory_space<vmem>>) attributes {dimension_semantics = [#tpu.dimension_semantics<arbitrary>], iteration_bounds = array<i64: 10>, scalar_prefetch = 0 : i64, scratch_operands = 0 : i64, tpu.core_type = #tpu.core_type<tc>, window_params = [{transform_indices = @transform_0, window_bounds = array<i64: 1000, 128>}, {transform_indices = @transform_1, window_bounds = array<i64: 1000, 128>}, {transform_indices = @transform_2, window_bounds = array<i64: 1000, 128>}, {pipeline_mode = #tpu.pipeline_mode<synchronous>, transform_indices = @transform_3, window_bounds = array<i64: 128, 128>}, {transform_indices = @transform_4, window_bounds = array<i64: 1000, 128>}]} {
    %get3A = arith.constant 0 : index
    %get3A_0 = arith.constant 0 : index
    %get3A_1 = vector.load %arg3[%get3A, %get3A_0] : memref<1000x128xf32, #tpu.memory_space<vmem>>, vector<1000x128xf32>
    %get3A_2 = arith.constant 0 : index
    %get3A_3 = arith.constant 0 : index
    %get3A_4 = vector.load %arg4[%get3A_2, %get3A_3] : memref<128x128xf32, #tpu.memory_space<vmem>>, vector<128x128xf32>
    %dot_general3A = arith.constant dense<0.000000e+00> : vector<1000x128xf32>
    %dot_general3A_5 = tpu.matmul %get3A_1, %get3A_4, %dot_general3A {dimension_numbers = #tpu.dot_dimension_numbers<[1], [0], [0], [1], [0, 0, 1, 1], [], []>, transpose_lhs_hint = false} : vector<1000x128xf32>, vector<128x128xf32>, vector<1000x128xf32> -> vector<1000x128xf32>
    %get3A_6 = arith.constant 0 : index
    %get3A_7 = arith.constant 0 : index
    %get3A_8 = vector.load %arg1[%get3A_6, %get3A_7] : memref<1000x128xf32, #tpu.memory_space<vmem>>, vector<1000x1xf32>
    %get3A_9 = arith.constant 0 : index
    %get3A_10 = arith.constant 0 : index
    %get3A_11 = vector.load %arg2[%get3A_9, %get3A_10] : memref<1000x128xf32, #tpu.memory_space<vmem>>, vector<1000x1xf32>
    %add3A = arith.addf %get3A_8, %get3A_11 : vector<1000x1xf32>
    %add3A_12 = arith.constant 1.000000e+00 : f32
    %add3A_13 = vector.broadcast %add3A_12 : f32 to vector<1000x1xf32>
    %add3A_14 = arith.addf %add3A, %add3A_13 : vector<1000x1xf32>
    %rsqrt3A = math.rsqrt %add3A_14 : vector<1000x1xf32>
    %mul3A = vector.broadcast %rsqrt3A : vector<1000x1xf32> to vector<1000x128xf32>
    %mul3A_15 = arith.mulf %dot_general3A_5, %mul3A : vector<1000x128xf32>
    %swap3A = arith.constant 0 : index
    %swap3A_16 = arith.constant 0 : index
    %swap3A_17 = vector.load %arg5[%swap3A, %swap3A_16] : memref<1000x128xf32, #tpu.memory_space<vmem>>, vector<1000x128xf32>
    tpu.vector_store %arg5[%swap3A, %swap3A_16], %mul3A_15 {strides = array<i32>} : memref<1000x128xf32, #tpu.memory_space<vmem>>, vector<1000x128xf32>,
    return
  }
  func.func @transform_0(%arg0: i32) -> (i32, i32) {
    %c0_i32 = arith.constant 0 : i32
    %c0_i32_0 = arith.constant 0 : i32
    return %arg0, %c0_i32 : i32, i32
  }
  func.func @transform_1(%arg0: i32) -> (i32, i32) {
    %c0_i32 = arith.constant 0 : i32
    %c0_i32_0 = arith.constant 0 : i32
    return %arg0, %c0_i32 : i32, i32
  }
  func.func @transform_2(%arg0: i32) -> (i32, i32) {
    %c0_i32 = arith.constant 0 : i32
    %c0_i32_0 = arith.constant 0 : i32
    return %arg0, %c0_i32 : i32, i32
  }
  func.func @transform_3(%arg0: i32) -> (i32, i32) {
    %c0_i32 = arith.constant 0 : i32
    %c0_i32_0 = arith.constant 0 : i32
    %c0_i32_1 = arith.constant 0 : i32
    return %c0_i32, %c0_i32_0 : i32, i32
  }
  func.func @transform_4(%arg0: i32) -> (i32, i32) {
    %c0_i32 = arith.constant 0 : i32
    %c0_i32_0 = arith.constant 0 : i32
    return %arg0, %c0_i32 : i32, i32
  }
}

module attributes {stable_mosaic.version = 14 : i64} {
  func.func @_mid_body(%arg0: i32, %arg1: memref<1000x128xf32, #tpu.memory_space<vmem>>, %arg2: memref<1000x128xf32, #tpu.memory_space<vmem>>, %arg3: memref<1000x128xf32, #tpu.memory_space<vmem>>, %arg4: memref<1000x128xf32, #tpu.memory_space<vmem>>, %arg5: memref<1000x128xf32, #tpu.memory_space<vmem>>, %arg6: memref<1x128xf32, #tpu.memory_space<vmem>>, %arg7: memref<1000x128xf32, #tpu.memory_space<vmem>>) attributes {dimension_semantics = [#tpu.dimension_semantics<arbitrary>], iteration_bounds = array<i64: 10>, scalar_prefetch = 0 : i64, scratch_operands = 0 : i64, tpu.core_type = #tpu.core_type<tc>, window_params = [{transform_indices = @transform_0, window_bounds = array<i64: 1000, 128>}, {transform_indices = @transform_1, window_bounds = array<i64: 1000, 128>}, {transform_indices = @transform_2, window_bounds = array<i64: 1000, 128>}, {transform_indices = @transform_3, window_bounds = array<i64: 1000, 128>}, {transform_indices = @transform_4, window_bounds = array<i64: 1000, 128>}, {pipeline_mode = #tpu.pipeline_mode<synchronous>, transform_indices = @transform_5, window_bounds = array<i64: 1, 128>}, {transform_indices = @transform_6, window_bounds = array<i64: 1000, 128>}]} {
    %get3A = arith.constant 0 : index
    %get3A_0 = arith.constant 0 : index
    %get3A_1 = vector.load %arg1[%get3A, %get3A_0] : memref<1000x128xf32, #tpu.memory_space<vmem>>, vector<1000x1xf32>
    %get3A_2 = arith.constant 0 : index
    %get3A_3 = arith.constant 0 : index
    %get3A_4 = vector.load %arg2[%get3A_2, %get3A_3] : memref<1000x128xf32, #tpu.memory_space<vmem>>, vector<1000x1xf32>
    %add3A = arith.addf %get3A_1, %get3A_4 : vector<1000x1xf32>
    %add3A_5 = arith.constant 1.000000e+00 : f32
    %add3A_6 = vector.broadcast %add3A_5 : f32 to vector<1000x1xf32>
    %add3A_7 = arith.addf %add3A, %add3A_6 : vector<1000x1xf32>
    %rsqrt3A = math.rsqrt %add3A_7 : vector<1000x1xf32>
    %get3A_8 = arith.constant 0 : index
    %get3A_9 = arith.constant 0 : index
    %get3A_10 = vector.load %arg3[%get3A_8, %get3A_9] : memref<1000x128xf32, #tpu.memory_space<vmem>>, vector<1000x128xf32>
    %get3A_11 = arith.constant 0 : index
    %get3A_12 = arith.constant 0 : index
    %get3A_13 = vector.load %arg4[%get3A_11, %get3A_12] : memref<1000x128xf32, #tpu.memory_space<vmem>>, vector<1000x128xf32>
    %add3A_14 = arith.addf %get3A_10, %get3A_13 : vector<1000x128xf32>
    %get3A_15 = arith.constant 0 : index
    %get3A_16 = arith.constant 0 : index
    %get3A_17 = vector.load %arg5[%get3A_15, %get3A_16] : memref<1000x128xf32, #tpu.memory_space<vmem>>, vector<1000x128xf32>
    %add3A_18 = arith.addf %add3A_14, %get3A_17 : vector<1000x128xf32>
    %mul3A = vector.broadcast %rsqrt3A : vector<1000x1xf32> to vector<1000x128xf32>
    %mul3A_19 = arith.mulf %add3A_18, %mul3A : vector<1000x128xf32>
    %get3A_20 = arith.constant 0 : index
    %get3A_21 = arith.constant 0 : index
    %get3A_22 = vector.load %arg6[%get3A_20, %get3A_21] : memref<1x128xf32, #tpu.memory_space<vmem>>, vector<1x128xf32>
    %add3A_23 = vector.broadcast %get3A_22 : vector<1x128xf32> to vector<1000x128xf32>
    %add3A_24 = arith.addf %mul3A_19, %add3A_23 : vector<1000x128xf32>
    %max3A = arith.constant 0.000000e+00 : f32
    %max3A_25 = vector.broadcast %max3A : f32 to vector<1000x128xf32>
    %max3A_26 = arith.maximumf %add3A_24, %max3A_25 : vector<1000x128xf32>
    %mul3A_27 = vector.broadcast %rsqrt3A : vector<1000x1xf32> to vector<1000x128xf32>
    %mul3A_28 = arith.mulf %max3A_26, %mul3A_27 : vector<1000x128xf32>
    %swap3A = arith.constant 0 : index
    %swap3A_29 = arith.constant 0 : index
    %swap3A_30 = vector.load %arg7[%swap3A, %swap3A_29] : memref<1000x128xf32, #tpu.memory_space<vmem>>, vector<1000x128xf32>
    tpu.vector_store %arg7[%swap3A, %swap3A_29], %mul3A_28 {strides = array<i32>} : memref<1000x128xf32, #tpu.memory_space<vmem>>, vector<1000x128xf32>,
    return
  }
  func.func @transform_0(%arg0: i32) -> (i32, i32) {
    %c0_i32 = arith.constant 0 : i32
    %c0_i32_0 = arith.constant 0 : i32
    return %arg0, %c0_i32 : i32, i32
  }
  func.func @transform_1(%arg0: i32) -> (i32, i32) {
    %c0_i32 = arith.constant 0 : i32
    %c0_i32_0 = arith.constant 0 : i32
    return %arg0, %c0_i32 : i32, i32
  }
  func.func @transform_2(%arg0: i32) -> (i32, i32) {
    %c0_i32 = arith.constant 0 : i32
    %c0_i32_0 = arith.constant 0 : i32
    return %arg0, %c0_i32 : i32, i32
  }
  func.func @transform_3(%arg0: i32) -> (i32, i32) {
    %c0_i32 = arith.constant 0 : i32
    %c0_i32_0 = arith.constant 0 : i32
    return %arg0, %c0_i32 : i32, i32
  }
  func.func @transform_4(%arg0: i32) -> (i32, i32) {
    %c0_i32 = arith.constant 0 : i32
    %c0_i32_0 = arith.constant 0 : i32
    return %arg0, %c0_i32 : i32, i32
  }
  func.func @transform_5(%arg0: i32) -> (i32, i32) {
    %c0_i32 = arith.constant 0 : i32
    %c0_i32_0 = arith.constant 0 : i32
    %c0_i32_1 = arith.constant 0 : i32
    return %c0_i32, %c0_i32_0 : i32, i32
  }
  func.func @transform_6(%arg0: i32) -> (i32, i32) {
    %c0_i32 = arith.constant 0 : i32
    %c0_i32_0 = arith.constant 0 : i32
    return %arg0, %c0_i32 : i32, i32
  }
}

module attributes {stable_mosaic.version = 14 : i64} {
  func.func @_out_body(%arg0: i32, %arg1: memref<1000x128xf32, #tpu.memory_space<vmem>>, %arg2: memref<1000x128xf32, #tpu.memory_space<vmem>>, %arg3: memref<1000x128xf32, #tpu.memory_space<vmem>>, %arg4: memref<1000x128xf32, #tpu.memory_space<vmem>>, %arg5: memref<1000x128xf32, #tpu.memory_space<vmem>>, %arg6: memref<128x64xf32, #tpu.memory_space<vmem>>, %arg7: memref<1x64xf32, #tpu.memory_space<vmem>>, %arg8: memref<1000x64xf32, #tpu.memory_space<vmem>>) attributes {dimension_semantics = [#tpu.dimension_semantics<arbitrary>], iteration_bounds = array<i64: 10>, scalar_prefetch = 0 : i64, scratch_operands = 0 : i64, tpu.core_type = #tpu.core_type<tc>, window_params = [{transform_indices = @transform_0, window_bounds = array<i64: 1000, 128>}, {transform_indices = @transform_1, window_bounds = array<i64: 1000, 128>}, {transform_indices = @transform_2, window_bounds = array<i64: 1000, 128>}, {transform_indices = @transform_3, window_bounds = array<i64: 1000, 128>}, {transform_indices = @transform_4, window_bounds = array<i64: 1000, 128>}, {pipeline_mode = #tpu.pipeline_mode<synchronous>, transform_indices = @transform_5, window_bounds = array<i64: 128, 64>}, {pipeline_mode = #tpu.pipeline_mode<synchronous>, transform_indices = @transform_6, window_bounds = array<i64: 1, 64>}, {transform_indices = @transform_7, window_bounds = array<i64: 1000, 64>}]} {
    %get3A = arith.constant 0 : index
    %get3A_0 = arith.constant 0 : index
    %get3A_1 = vector.load %arg1[%get3A, %get3A_0] : memref<1000x128xf32, #tpu.memory_space<vmem>>, vector<1000x1xf32>
    %get3A_2 = arith.constant 0 : index
    %get3A_3 = arith.constant 0 : index
    %get3A_4 = vector.load %arg2[%get3A_2, %get3A_3] : memref<1000x128xf32, #tpu.memory_space<vmem>>, vector<1000x1xf32>
    %add3A = arith.addf %get3A_1, %get3A_4 : vector<1000x1xf32>
    %add3A_5 = arith.constant 1.000000e+00 : f32
    %add3A_6 = vector.broadcast %add3A_5 : f32 to vector<1000x1xf32>
    %add3A_7 = arith.addf %add3A, %add3A_6 : vector<1000x1xf32>
    %rsqrt3A = math.rsqrt %add3A_7 : vector<1000x1xf32>
    %get3A_8 = arith.constant 0 : index
    %get3A_9 = arith.constant 0 : index
    %get3A_10 = vector.load %arg3[%get3A_8, %get3A_9] : memref<1000x128xf32, #tpu.memory_space<vmem>>, vector<1000x128xf32>
    %get3A_11 = arith.constant 0 : index
    %get3A_12 = arith.constant 0 : index
    %get3A_13 = vector.load %arg4[%get3A_11, %get3A_12] : memref<1000x128xf32, #tpu.memory_space<vmem>>, vector<1000x128xf32>
    %add3A_14 = arith.addf %get3A_10, %get3A_13 : vector<1000x128xf32>
    %get3A_15 = arith.constant 0 : index
    %get3A_16 = arith.constant 0 : index
    %get3A_17 = vector.load %arg5[%get3A_15, %get3A_16] : memref<1000x128xf32, #tpu.memory_space<vmem>>, vector<1000x128xf32>
    %add3A_18 = arith.addf %add3A_14, %get3A_17 : vector<1000x128xf32>
    %mul3A = vector.broadcast %rsqrt3A : vector<1000x1xf32> to vector<1000x128xf32>
    %mul3A_19 = arith.mulf %add3A_18, %mul3A : vector<1000x128xf32>
    %get3A_20 = arith.constant 0 : index
    %get3A_21 = arith.constant 0 : index
    %get3A_22 = vector.load %arg6[%get3A_20, %get3A_21] : memref<128x64xf32, #tpu.memory_space<vmem>>, vector<128x64xf32>
    %dot_general3A = arith.constant dense<0.000000e+00> : vector<1000x64xf32>
    %dot_general3A_23 = tpu.matmul %mul3A_19, %get3A_22, %dot_general3A {dimension_numbers = #tpu.dot_dimension_numbers<[1], [0], [0], [1], [0, 0, 1, 1], [], []>, transpose_lhs_hint = false} : vector<1000x128xf32>, vector<128x64xf32>, vector<1000x64xf32> -> vector<1000x64xf32>
    %get3A_24 = arith.constant 0 : index
    %get3A_25 = arith.constant 0 : index
    %get3A_26 = vector.load %arg7[%get3A_24, %get3A_25] : memref<1x64xf32, #tpu.memory_space<vmem>>, vector<1x64xf32>
    %add3A_27 = vector.broadcast %get3A_26 : vector<1x64xf32> to vector<1000x64xf32>
    %add3A_28 = arith.addf %dot_general3A_23, %add3A_27 : vector<1000x64xf32>
    %swap3A = arith.constant 0 : index
    %swap3A_29 = arith.constant 0 : index
    %swap3A_30 = vector.load %arg8[%swap3A, %swap3A_29] : memref<1000x64xf32, #tpu.memory_space<vmem>>, vector<1000x64xf32>
    tpu.vector_store %arg8[%swap3A, %swap3A_29], %add3A_28 {strides = array<i32>} : memref<1000x64xf32, #tpu.memory_space<vmem>>, vector<1000x64xf32>,
    return
  }
  func.func @transform_0(%arg0: i32) -> (i32, i32) {
    %c0_i32 = arith.constant 0 : i32
    %c0_i32_0 = arith.constant 0 : i32
    return %arg0, %c0_i32 : i32, i32
  }
  func.func @transform_1(%arg0: i32) -> (i32, i32) {
    %c0_i32 = arith.constant 0 : i32
    %c0_i32_0 = arith.constant 0 : i32
    return %arg0, %c0_i32 : i32, i32
  }
  func.func @transform_2(%arg0: i32) -> (i32, i32) {
    %c0_i32 = arith.constant 0 : i32
    %c0_i32_0 = arith.constant 0 : i32
    return %arg0, %c0_i32 : i32, i32
  }
  func.func @transform_3(%arg0: i32) -> (i32, i32) {
    %c0_i32 = arith.constant 0 : i32
    %c0_i32_0 = arith.constant 0 : i32
    return %arg0, %c0_i32 : i32, i32
  }
  func.func @transform_4(%arg0: i32) -> (i32, i32) {
    %c0_i32 = arith.constant 0 : i32
    %c0_i32_0 = arith.constant 0 : i32
    return %arg0, %c0_i32 : i32, i32
  }
  func.func @transform_5(%arg0: i32) -> (i32, i32) {
    %c0_i32 = arith.constant 0 : i32
    %c0_i32_0 = arith.constant 0 : i32
    %c0_i32_1 = arith.constant 0 : i32
    return %c0_i32, %c0_i32_0 : i32, i32
  }
  func.func @transform_6(%arg0: i32) -> (i32, i32) {
    %c0_i32 = arith.constant 0 : i32
    %c0_i32_0 = arith.constant 0 : i32
    %c0_i32_1 = arith.constant 0 : i32
    return %c0_i32, %c0_i32_0 : i32, i32
  }
  func.func @transform_7(%arg0: i32) -> (i32, i32) {
    %c0_i32 = arith.constant 0 : i32
    %c0_i32_0 = arith.constant 0 : i32
    return %arg0, %c0_i32 : i32, i32
  }
}

</mosaic_0001>

<sc_bundles>
// kernel: kernel.11.cloned.1.call-start
scs
__scs_entry_jumppad:
0x0: {  	(pc) =	sbr.rel $0x88, $3  }
0x1: {  	(tag) =	ssettag $0x0;
	lr =	simm.s32 $0x1  }
0x2: {  	[smem:$0x3F9B] =	sst lr;
	_ =	strace $0xD0000000  }
0x3: {  	_ = 	snop  }
0x4: {  	_ = 	snop  }
0x5: {  	_ = 	snop  }
0x6: {  	_ = 	snop  }
0x7: {  	_ = 	snop  }
__scs_overlays_trampoline_lowered:
0x8: {  	[smem:$0x3FAA] =	sst s0  }
0x9: {  	[smem:$0x3FAB] =	sst s1  }
0xa: {  	[smem:$0x3FAC] =	sst s2  }
0xb: {  	[smem:$0x3FAD] =	sst s3  }
0xc: {  	[smem:$0x3FAE] =	sst s4  }
0xd: {  	[smem:$0x3FAF] =	sst s5  }
0xe: {  	[smem:$0x3FB0] =	sst s6  }
0xf: {  	[smem:$0x3FB1] =	sst s7  }
0x10: {  	[smem:$0x3FB2] =	sst s8  }
0x11: {  	[smem:$0x3FB3] =	sst s9;
	s0 =	simm.s32 @!p0 $0x0  }
0x12: {  	s1 =	sld [smem:$0x3F99];
	s0 =	simm.s32 @p0 $0x1  }
0x13: {  	[smem:$0x3FB4] =	sst s0;
	s0 =	simm.s32 @!p1 $0x0  }
0x14: {  	s2 =	sld [smem:$0x3F98];
	s0 =	simm.s32 @p1 $0x1  }
0x15: {  	[smem:$0x3FB5] =	sst s0;
	s0 =	simm.s32 @!p2 $0x0  }
0x16: {  	s3 =	sld [smem:$0x3FDB];
	s0 =	simm.s32 @p2 $0x1  }
0x17: {  	s4 =	simm.s32 $0x1BF5;
	[smem:$0x3FB7] =	sst s0  }
0x18: {  	s0 =	sld [smem:$0x3F9A];
	_ =	swait.ge [sflag:s4], $0x0  }
0x19: {  	s7 =	sld [smem:$0x3F9B]  }
0x1a: {  	s8 =	sadd.s32 $0xFFFFE003, lr  }
0x1b: {  	s9 =	sadd.s32 $0xFFFFFEF7, lr;
	s5 =	simm.s32 $0xFFFFFFFF;
	p2 =	slt.u32 s8, $0xFFFFF086  }
0x1c: {  	p1 =	slt.u32 s9, $0xF7A;
	s5 =	simm.s32 @!p2 $0x0  }
0x1d: {  	s5 =	simm.s32 @p1 $0x1;
	p0 =	seq.s32 s7, s2  }
0x1e: {  	s7 =	smul.u32 @!p0 $0xF7A, s2;
	p2 =	seq.s32 @!p0 s5, $0x0  }
0x1f: {  	s9 =	smul.u32 $0xF7A, s1;
	s8 =	simm.s32 @!p0 $0x1BF5;
	p2 =	por !p2, p0  }
0x20: {  	[sflag:s8] =	ssyncset.s32 @!p0 $0xFFFFF086;
	s6 =	sadd.s32 @!p0 s3, s7;
	s7 =	simm.s32 @!p0 $0x108  }
0x21: {  	s3 =	sadd.s32 s3, s9;
	s6 =	sadd.s32 @!p0 $0x88, s6;
	s7 =	simm.s32 @p2 $0x1082  }
0x22: {  	[simem:s7], [sflag:s8] =	dma.local @!p0 [hbm:s6], $0xF7A  }
0x23: {  	s9 =	sor.u32 $0xD0000000, s2;
	s6 =	simm.s32 $0x108;
	_ =	swait.ge @!p0 [sflag:s8], $0x0  }
0x24: {  	s3 =	sadd.s32 $0x88, s3;
	s6 =	simm.s32 @!p1 $0x1082;
	[sflag:s4] =	ssyncset.s32 $0xFFFFF086  }
0x25: {  	[simem:s6], [sflag:s4] =	dma.local [hbm:s3], $0xF7A  }
0x26: {  	[smem:$0x3F9B] =	sst s1;
	(tag) =	ssettag s2;
	_ =	strace s9  }
0x27: {  	s1 =	sld [smem:$0x3FAB]  }
0x28: {  	s2 =	sld [smem:$0x3FAC]  }
0x29: {  	s4 =	sld [smem:$0x3FAE]  }
0x2a: {  	p0 =	seq.s32 s5, $0x0;
	s5 =	sld [smem:$0x3FAF]  }
0x2b: {  	s6 =	sld [smem:$0x3FB0]  }
0x2c: {  	s7 =	sld [smem:$0x3FB1]  }
0x2d: {  	s3 =	simm.s32 $0x108;
	s8 =	sld [smem:$0x3FB2]  }
0x2e: {  	s3 =	simm.s32 @!p0 $0x1082;
	s9 =	sld [smem:$0x3FB3]  }
0x2f: {  	lr =	sadd.s32 s0, s3;
	s0 =	sld [smem:$0x3FAA]  }
0x30: {  	s3 =	sld [smem:$0x3FAD]  }
0x31: {  	[smem:$0x3FB6] =	sst s10  }
0x32: {  	s10 =	sld [smem:$0x3FB4];
	_ =	sdelay $0x3  }
0x33: {  	p0 =	seq.s32 s10, $0x1;
	s10 =	sld [smem:$0x3FB6];
	_ =	sdelay $0x3  }
0x34: {  	[smem:$0x3FB6] =	sst s10  }
0x35: {  	s10 =	sld [smem:$0x3FB5];
	_ =	sdelay $0x3  }
0x36: {  	p1 =	seq.s32 s10, $0x1;
	s10 =	sld [smem:$0x3FB6];
	_ =	sdelay $0x3  }
0x37: {  	[smem:$0x3FB6] =	sst s10  }
0x38: {  	s10 =	sld [smem:$0x3FB7]  }
0x39: {  	_ = 	snop;
	(pc) =	sbr.ind lr, $3  }
0x3a: {  	_ = 	snop  }
0x3b: {  	_ = 	snop  }
0x3c: {  	p2 =	seq.s32 s10, $0x1;
	s10 =	sld [smem:$0x3FB6]  }
0x3d: {  	_ =	shalt  }
0x3e: {  	_ =	shalt  }
0x3f: {  	_ =	shalt  }
0x40: {  	_ =	shalt  }
0x41: {  	_ =	shalt  }
0x42: {  	_ =	shalt  }
0x43: {  	_ =	shalt  }
0x44: {  	_ =	shalt  }
0x45: {  	_ =	shalt  }
0x46: {  	_ =	shalt  }
0x47: {  	_ =	shalt  }
0x48: {  	_ =	shalt  }
0x49: {  	_ =	shalt  }
0x4a: {  	_ =	shalt  }
0x4b: {  	_ =	shalt  }
0x4c: {  	_ =	shalt  }
0x4d: {  	_ =	shalt  }
0x4e: {  	_ =	shalt  }
0x4f: {  	_ =	shalt  }
0x50: {  	_ =	shalt  }
0x51: {  	_ =	shalt  }
0x52: {  	_ =	shalt  }
0x53: {  	_ =	shalt  }
0x54: {  	_ =	shalt  }
0x55: {  	_ =	shalt  }
0x56: {  	_ =	shalt  }
0x57: {  	_ =	shalt  }
0x58: {  	_ =	shalt  }
0x59: {  	_ =	shalt  }
0x5a: {  	_ =	shalt  }
0x5b: {  	_ =	shalt  }
0x5c: {  	_ =	shalt  }
0x5d: {  	_ =	shalt  }
0x5e: {  	_ =	shalt  }
0x5f: {  	_ =	shalt  }
0x60: {  	_ =	shalt  }
0x61: {  	_ =	shalt  }
0x62: {  	_ =	shalt  }
0x63: {  	_ =	shalt  }
0x64: {  	_ =	shalt  }
0x65: {  	_ =	shalt  }
0x66: {  	_ =	shalt  }
0x67: {  	_ =	shalt  }
0x68: {  	_ =	shalt  }
0x69: {  	_ =	shalt  }
0x6a: {  	_ =	shalt  }
0x6b: {  	_ =	shalt  }
0x6c: {  	_ =	shalt  }
0x6d: {  	_ =	shalt  }
0x6e: {  	_ =	shalt  }
0x6f: {  	_ =	shalt  }
0x70: {  	_ =	shalt  }
0x71: {  	_ =	shalt  }
0x72: {  	_ =	shalt  }
0x73: {  	_ =	shalt  }
0x74: {  	_ =	shalt  }
0x75: {  	_ =	shalt  }
0x76: {  	_ =	shalt  }
0x77: {  	_ =	shalt  }
0x78: {  	_ =	shalt  }
0x79: {  	_ =	shalt  }
0x7a: {  	_ =	shalt  }
0x7b: {  	_ =	shalt  }
0x7c: {  	_ =	shalt  }
0x7d: {  	_ =	shalt  }
0x7e: {  	_ =	shalt  }
0x7f: {  	_ =	shalt  }
0x80: {  	_ =	shalt  }
0x81: {  	_ =	shalt  }
0x82: {  	_ =	shalt  }
0x83: {  	_ =	shalt  }
0x84: {  	_ =	shalt  }
0x85: {  	_ =	shalt  }
0x86: {  	_ =	shalt  }
0x87: {  	_ =	shalt  }
.Lfunc_end0:
.L_simem_size_0:
called_computation.1_lowered:
.L_overlay_start_0:
0x88: {  	s2 =	sld [smem:$0x3FD9]  }
0x89: {  	s3 =	sld [smem:$0x3FFE];
	_ =	sdelay $0x1  }
0x8a: {  	s1 =	srdreg.scid  }
0x8b: {  	s0 =	sand.u32 $0x1, s1  }
0x8c: {  	s17 =	sshll.u32 s0, $0xA;
	s2 =	sadd.s32 s3, s2  }
0x8d: {  	s2 =	sadd.s32 s2, s17  }
0x8e: {  	[smem:$0x3FC2] =	sst s2  }
0x8f: {  	_ = 	snop  }
0x90: {  	s2 =	sld [smem:$0x3FD0];
	(tm) =	ssettm $0x1  }
0x91: {  	s18 =	sld [smem:$0x3FFB];
	_ =	sdelay $0x3  }
0x92: {  	_ =	strace s18  }
0x93: {  	s3 =	sld [smem:$0x3FFC];
	_ =	sdelay $0x3  }
0x94: {  	_ =	strace s3  }
0x95: {  	s3 =	sld [smem:$0x3FFD];
	_ =	sdelay $0x3  }
0x96: {  	_ =	strace s3  }
0x97: {  	_ =	strace $0x8FFFFFFF  }
0x98: {  	s19 =	sld [smem:$0x3FDB];
	_ =	sdelay $0x1  }
0x99: {  	s4 =	simm.s32 $_scs_section_size  }
0x9a: {  	s5 =	simm.s32 $_size__tile_overlayer_lowered;
	s6 =	simm.s32 $_tile_overlayer_lowered  }
0x9b: {  	s22 =	simm.s32 $0x1BFF;
	s21 =	sshll.u32 s6, $0x1;
	s3 =	sadd.s32 s4, s19  }
0x9c: {  	s7 =	simm.s32 $0x0;
	s20 =	sshll.u32 s5, $0x1;
	s5 =	sadd.s32 s21, s3  }
0x9d: {  	[timem:s7], [sflag:s22] =	dma.local [hbm:s5], s20  }
0x9e: {  	_ =	swait.ge [sflag:s22], s20  }
0x9f: {  	s4 =	ssub.s32 $0x0, s20;
	[sflag:s22] =	ssyncset.done $0x0  }
0xa0: {  	[sflag:s22] =	ssyncadd.s32 s4;
	_ =	sdelay $0x1  }
0xa1: {  	s23 =	simm.s32 $0x1B8B  }
0xa2: {  	_ =	swait.ge [sflag:s23], $0x1  }
0xa3: {  	[sflag:s23] =	ssyncset.done $0x0  }
0xa4: {  	s25 =	simm.s32 $0x1B8E;
	s24 =	sld [smem:$0x3FFE];
	[sflag:s23] =	ssyncadd.s32 $0xFFFFFFFF  }
0xa5: {  	s26 =	simm.s32 $execute0_lowered;
	[smem:$0x3FD2] =	sst s25  }
0xa6: {  	s5 =	sshll.u32 s26, $0x1;
	_ =	strace $0x80000049;
	[dreg:$0x1] =	wrdreg $0xFFFFFFFF  }
0xa7: {  	s28 =	simm.s32 $_size_execute0_lowered;
	s3 =	sadd.s32 s3, s5;
	[dreg:$0x0] =	wrdreg $0x0  }
0xa8: {  	s5 =	sshll.u32 s28, $0x1;
	[dreg:$0x2] =	wrdreg s3  }
0xa9: {  	[dreg:$0x3] =	wrdreg s5  }
0xaa: {  	[dreg:$0x4] =	wrdreg $0xC0  }
0xab: {  	_ =	task [dreg:s7], $0x5FFFF  }
0xac: {  	[dreg:$0x1] =	wrdreg $0xFFFFFFFF  }
0xad: {  	[dreg:$0x0] =	wrdreg $0x60  }
0xae: {  	[dreg:$0x2] =	wrdreg s24  }
0xaf: {  	[dreg:$0x3] =	wrdreg s2  }
0xb0: {  	[dreg:$0x4] =	wrdreg $0x91000  }
0xb1: {  	[dreg:$0x5] =	wrdreg $0x9  }
0xb2: {  	_ =	task.clear_ibuf [dreg:s7], $0x6FFFF;
	_ =	strace $0x90000049  }
0xb3: {  	s29 =	simm.s32 $0x9;
	_ =	strace $0x8000004B  }
0xb4: {  	_ =	swait.ge [sflag:s29], $0x1  }
0xb5: {  	[sflag:s29] =	ssyncadd.s32 $0xFFFFFFFF  }
0xb6: {  	_ =	strace $0x9000004B  }
0xb7: {  	_ =	sfence  }
0xb8: {  	s30 =	sld [smem:$0x0];
	_ =	sdelay $0x2  }
0xb9: {  	s31 =	sshll.u32 s1, $0xD;
	s1 =	sshrl.u32 s1, $0x2  }
0xba: {  	s3 =	sand.u32 $0x4000, s31;
	s1 =	sadd.s32 s1, s30  }
0xbb: {  	s0 =	sor.u32 s3, s0;
	s1 =	sshll.u32 s1, $0x11  }
0xbc: {  	s0 =	sor.u32 s1, s0  }
0xbd: {  	s0 =	sadd.s32 $0x8F2B, s0  }
0xbe: {  	[sflag:s0] =	ssyncadd.remote.s32 $0x1  }
0xbf: {  	_ =	sfence.sel $0xFFFF  }
0xc0: {  	[dreg:$0x0] =	wrdreg $0xFFFFFFFF;
	(pc) =	sbr.abs _section_cstart, $3  }
0xc1: {  	[dreg:$0x1] =	wrdreg $0xFFFFFFFF  }
0xc2: {  	_ =	task.clear_ibuf [dreg:s7], $0x2FFFF;
	_ =	strace $0x9FFFFFFF  }
0xc3: {  	(tm) =	ssettm $0x7FFFFFFF  }
tec
execute0_lowered:
.L_overlay_start_1:
0x0: {  	(tag) =	ssettag $0x1  }
0x1: {  	s5 =	rddreg [dreg:$0x0]  }
0x2: {  	s1 =	srdreg.scid;
	s6 =	rddreg [dreg:$0x1]  }
0x3: {  	s0 =	stileid.u32;
	s2 =	rddreg [dreg:$0x2];
	s3 =	simm.s32 $0x0  }
0x4: {  	s15 =	simm.s32 $0x5080;
	s18 =	simm.s32 $0x80;
	s19 =	simm.s32 $0x5100  }
0x5: {  	s20 =	simm.s32 $0x10;
	s21 =	simm.s32 $0x0;
	s7 =	sand.u32 $0x1, s1  }
0x6: {  	s26 =	sshll.u32 s0, $0x1;
	s1 =	rddreg [dreg:$0x3];
	s10 =	smul.u32 $0x13C00, s0  }
0x7: {  	[smem:$0x7FF] =	sst s3;
	s4 =	sadd.s32 $0x2A800, s5;
	s30 =	smul.u32 $0x4F000, s0  }
0x8: {  	s16 =	sshll.u32 s0, $0x6;
	s8 =	sor.u32 s7, s26;
	_ =	strace $0x8000004A  }
0x9: {  	s11 =	smul.u32 $0x13C000, s7;
	s7 =	ssub.s32 $0x2, s7;
	s16 =	sor.u32 $0x1C01, s16  }
0xa: {  	s9 =	smul.u32 $0x500, s8;
	s8 =	sshll.u32 s8, $0x4;
	s13 =	sshrl.u32 s10, $0x3  }
0xb: {  	s29 =	sshrl.u32 s7, $0x1;
	s31 =	sshrl.u32 s30, $0x2;
	s8 =	sadd.s32 s8, s5  }
0xc: {  	s10 =	sadd.s32 s10, s11;
	s28 =	sadd.s32 s13, s5;
	s14 =	ssub.s32 s7, s29  }
0xd: {  	s17 =	sadd.s32 s31, s2;
	s13 =	simm.s32 $0x2800;
	s12 =	sadd.s32 s9, s5  }
0xe: {  	s10 =	sshrl.u32 s10, $0x3;
	s6 =	sadd.s32 s6, s9;
	s7 =	sadd.s32 $0x7A000, s8  }
0xf: {  	s8 =	sadd.s32 $0x2E00, s8;
	s9 =	sadd.s32 $0x3000, s28;
	s11 =	smax.u32 s14, $0x1  }
0x10: {  	s14 =	simm.s32 $0x5000;
	s17 =	sshrl.u32 s17, $0x3;
	s10 =	sadd.s32 s10, s5  }
0x11: {  	s5 =	sadd.s32 $0x7A200, s12;
	s12 =	simm.s32 $0x1;
	s10 =	sadd.s32 $0x84200, s10  }
.LBB2_1:
0x12: {  	[tilespmem:s3], [sflag:$0x1] =	stream.linear.gather [hbm4b:s5+s3], $0x2700, $0x38;
	[tilespmem:$0x1CD00] =	vst v63  }
0x13: {  	_ =	swait.ge [sflag:s12], $0x2700  }
0x14: {  	[sflag:s12] =	ssyncset.done $0x0  }
0x15: {  	[sflag:s12] =	ssyncadd.s32 $0xFFFFD900  }
0x16: {  	[tilespmem:s13], [sflag:$0x1] =	stream.linear.gather [hbm4b:s6+s3], $0x2700, $0x38;
	[tilespmem:$0x1CD00] =	vst v63  }
0x17: {  	_ =	swait.ge [sflag:s12], $0x2700  }
0x18: {  	[sflag:s12] =	ssyncset.done $0x0  }
0x19: {  	[sflag:s12] =	ssyncadd.s32 $0xFFFFD900  }
0x1a: {  	[tilespmem:s14], [sflag:$0x1] =	stream.linear.gather [hbm4b:s7+s3], $0x80, $0x38;
	[tilespmem:$0x1CD00] =	vst v63  }
0x1b: {  	_ =	swait.ge [sflag:s12], $0x80  }
0x1c: {  	[sflag:s12] =	ssyncset.done $0x0  }
0x1d: {  	[sflag:s12] =	ssyncadd.s32 $0xFFFFFF80  }
0x1e: {  	[tilespmem:s15], [sflag:$0x1] =	stream.linear.gather [hbm4b:s8+s3], $0x80, $0x38;
	[tilespmem:$0x1CD00] =	vst v63  }
0x1f: {  	_ =	swait.ge [sflag:s12], $0x80  }
0x20: {  	[sflag:s12] =	ssyncset.done $0x0  }
0x21: {  	[sflag:s12] =	ssyncadd.s32 $0xFFFFFF80  }
0x22: {  	[spmem:s17], [sflag:s16] =	dma.local [hbm:s9], $0x2780  }
0x23: {  	_ =	swait.ge [sflag:s12], $0x2780  }
0x24: {  	[sflag:s12] =	ssyncset.done $0x0  }
0x25: {  	[sflag:s12] =	ssyncadd.s32 $0xFFFFD880  }
0x26: {  	s22 =	simm.s32 $0x0;
	[bflag:$0x0] =	sbarrier.arrive $0xFFFF  }
0x27: {  	[tilespmem:s19], [sflag:$0x1] =	stream.indirect.gather [hbm4b:s4+s18], $0x80, s22, s18, $0xb8;
	[tilespmem:$0x1CD00] =	vst v63  }
0x28: {  	_ =	swait.ge [sflag:s12], $0x4000  }
0x29: {  	[sflag:s12] =	ssyncset.done $0x0  }
0x2a: {  	s31 =	simm.s32 $0x2800;
	[sflag:s12] =	ssyncadd.s32 $0xFFFFC000  }
0x2b: {  	[spmem:s2] =	stream.indirect.scatter.add.f32 [tilespmem:s19], [sflag:$0x1], $0x80, s31, s18, $0xb8;
	[tilespmem:$0x1CD00] =	vst v63  }
0x2c: {  	_ =	swait.ge [sflag:s12], $0x4000  }
0x2d: {  	s23 =	simm.s32 $0x400;
	s22 =	simm.s32 $0x200;
	[sflag:s12] =	ssyncset.done $0x0  }
.LBB2_2:
0x2e: {  	s24 =	sshra.s32 s22, $0x2  }
0x2f: {  	[sflag:s12] =	ssyncadd.s32 $0xFFFFC000;
	s22 =	smov.u32 s23;
	s25 =	sadd.s32 $0x200, s23  }
0x30: {  	[tilespmem:s19], [sflag:$0x1] =	stream.indirect.gather [hbm4b:s4+s18], $0x80, s24, s18, $0xb8;
	[tilespmem:$0x1CD00] =	vst v63  }
0x31: {  	p0 =	sne.s32 s23, $0x9A00;
	_ =	swait.ge [sflag:s12], $0x4000  }
.Ltmp0:
0x32: {  	[sflag:s12] =	ssyncset.done $0x0;
	(pc) =	sbr.rel @p0 .LBB2_2-.Ltmp0, $4  }
0x33: {  	s23 =	sadd.s32 $0x2800, s24;
	[sflag:s12] =	ssyncadd.s32 $0xFFFFC000  }
0x34: {  	[spmem:s2] =	stream.indirect.scatter.add.f32 [tilespmem:s19], [sflag:$0x1], $0x80, s23, s18, $0xb8;
	[tilespmem:$0x1CD00] =	vst v63  }
0x35: {  	_ =	swait.ge [sflag:s12], $0x4000  }
0x36: {  	s23 =	smov.u32 s25;
	[sflag:s12] =	ssyncset.done $0x0  }
0x37: {  	s22 =	sshra.s32 s22, $0x2;
	[sflag:s12] =	ssyncadd.s32 $0xFFFFC000  }
0x38: {  	[tilespmem:s19], [sflag:$0x1] =	stream.indirect.gather [hbm4b:s4+s18], $0x80, s22, s18, $0xb8;
	[tilespmem:$0x1CD00] =	vst v63  }
0x39: {  	_ =	swait.ge [sflag:s12], $0x4000  }
0x3a: {  	[sflag:s12] =	ssyncset.done $0x0  }
0x3b: {  	s22 =	sadd.s32 $0x2800, s22;
	[sflag:s12] =	ssyncadd.s32 $0xFFFFC000  }
0x3c: {  	[spmem:s2] =	stream.indirect.scatter.add.f32 [tilespmem:s19], [sflag:$0x1], $0x80, s22, s18, $0xb8;
	[tilespmem:$0x1CD00] =	vst v63  }
0x3d: {  	_ =	swait.ge [sflag:s12], $0x4000  }
0x3e: {  	[sflag:s12] =	ssyncset.done $0x0  }
0x3f: {  	[sflag:s12] =	ssyncadd.s32 $0xFFFFC000  }
0x40: {  	[tilespmem:s19], [sflag:$0x1] =	stream.indirect.gather [hbm4b:s4+s20], $0x80, s14, s20, $0xb8;
	[tilespmem:$0x1CD00] =	vst v63  }
0x41: {  	_ =	swait.ge [sflag:s12], $0x800  }
0x42: {  	[sflag:s12] =	ssyncset.done $0x0  }
0x43: {  	[sflag:s12] =	ssyncadd.s32 $0xFFFFF800  }
0x44: {  	[spmem:s2] =	stream.indirect.scatter.add.f32 [tilespmem:s19], [sflag:$0x1], $0x80, s15, s20, $0xb8;
	[tilespmem:$0x1CD00] =	vst v63  }
0x45: {  	_ =	swait.ge [sflag:s12], $0x800  }
0x46: {  	s21 =	sadd.s32 $0x1, s21;
	[sflag:s12] =	ssyncset.done $0x0  }
0x47: {  	p0 =	sne.s32 s21, s11;
	[sflag:s12] =	ssyncadd.s32 $0xFFFFF800  }
.Ltmp1:
0x48: {  	[bflag:$0x0] =	sbarrier.arrive $0xFFFF;
	(pc) =	sbr.rel @p0 .LBB2_1-.Ltmp1, $4  }
0x49: {  	[hbm:s10], [sflag:s16] =	dma.local [spmem:s17], $0x2780  }
0x4a: {  	_ =	swait.ge [sflag:s12], $0x2780  }
0x4b: {  	[sflag:s12] =	ssyncset.done $0x0  }
0x4c: {  	[sflag:s12] =	ssyncadd.s32 $0xFFFFD880  }
0x4d: {  	_ =	sfence.sel $0x180000  }
0x4e: {  	[bflag:$0x0] =	sbarrier.arrive $0xFFFF  }
0x4f: {  	p0 =	sne.s32 s0, $0x0;
	_ =	strace $0x9000004A  }
0x50: {  	s0 =	sadd.s32 @!p0 $0x100000, s1;
	[bflag:$0x2] =	sbarrier.arrive $0xFFFF  }
0x51: {  	[sflag:s0] =	ssyncadd.tile.s32 @!p0 $0x1;
	_ =	shalt  }
.Lfunc_end2:
_tile_overlayer_lowered:
.L_overlay_start_2:
0x52: {  	(tag) =	ssettag $0x2  }
0x53: {  	s0 =	rddreg [dreg:$0x0];
	s2 =	stileid.u32  }
0x54: {  	s1 =	rddreg [dreg:$0x1];
	p0 =	sne.s32 s2, $0x0  }
0x55: {  	s3 =	rddreg [dreg:$0x2];
	[bflag:$0x3] =	sbarrier.arrive $0xFFFF;
	s2 =	simm.s32 @!p0 $0x1C01  }
0x56: {  	[timem:s3], [sflag:s2] =	dma.local @!p0 [hbm:s0], s1  }
0x57: {  	s0 =	simm.s32 @!p0 $0x1  }
0x58: {  	_ =	swait.ge @!p0 [sflag:s0], s1  }
0x59: {  	s1 =	ssub.s32 @!p0 $0x0, s1;
	[sflag:s0] =	ssyncset.done @!p0 $0x0  }
0x5a: {  	[sflag:s0] =	ssyncadd.s32 @!p0 s1  }
0x5b: {  	[bflag:$0x3] =	sbarrier.arrive $0xFFFF  }
0x5c: {  	_ =	shalt  }

// kernel: kernel.14.cloned.1.call-start
scs
__scs_entry_jumppad:
0x0: {  	(pc) =	sbr.rel $0x88, $3  }
0x1: {  	(tag) =	ssettag $0x0;
	lr =	simm.s32 $0x1  }
0x2: {  	[smem:$0x3F9B] =	sst lr;
	_ =	strace $0xD0000000  }
0x3: {  	_ = 	snop  }
0x4: {  	_ = 	snop  }
0x5: {  	_ = 	snop  }
0x6: {  	_ = 	snop  }
0x7: {  	_ = 	snop  }
__scs_overlays_trampoline_lowered:
0x8: {  	[smem:$0x3FAA] =	sst s0  }
0x9: {  	[smem:$0x3FAB] =	sst s1  }
0xa: {  	[smem:$0x3FAC] =	sst s2  }
0xb: {  	[smem:$0x3FAD] =	sst s3  }
0xc: {  	[smem:$0x3FAE] =	sst s4  }
0xd: {  	[smem:$0x3FAF] =	sst s5  }
0xe: {  	[smem:$0x3FB0] =	sst s6  }
0xf: {  	[smem:$0x3FB1] =	sst s7  }
0x10: {  	[smem:$0x3FB2] =	sst s8  }
0x11: {  	[smem:$0x3FB3] =	sst s9;
	s0 =	simm.s32 @!p0 $0x0  }
0x12: {  	s1 =	sld [smem:$0x3F99];
	s0 =	simm.s32 @p0 $0x1  }
0x13: {  	[smem:$0x3FB4] =	sst s0;
	s0 =	simm.s32 @!p1 $0x0  }
0x14: {  	s2 =	sld [smem:$0x3F98];
	s0 =	simm.s32 @p1 $0x1  }
0x15: {  	[smem:$0x3FB5] =	sst s0;
	s0 =	simm.s32 @!p2 $0x0  }
0x16: {  	s3 =	sld [smem:$0x3FDB];
	s0 =	simm.s32 @p2 $0x1  }
0x17: {  	s4 =	simm.s32 $0x1BF5;
	[smem:$0x3FB7] =	sst s0  }
0x18: {  	s0 =	sld [smem:$0x3F9A];
	_ =	swait.ge [sflag:s4], $0x0  }
0x19: {  	s7 =	sld [smem:$0x3F9B]  }
0x1a: {  	s8 =	sadd.s32 $0xFFFFE003, lr  }
0x1b: {  	s9 =	sadd.s32 $0xFFFFFEF7, lr;
	s5 =	simm.s32 $0xFFFFFFFF;
	p2 =	slt.u32 s8, $0xFFFFF086  }
0x1c: {  	p1 =	slt.u32 s9, $0xF7A;
	s5 =	simm.s32 @!p2 $0x0  }
0x1d: {  	s5 =	simm.s32 @p1 $0x1;
	p0 =	seq.s32 s7, s2  }
0x1e: {  	s7 =	smul.u32 @!p0 $0xF7A, s2;
	p2 =	seq.s32 @!p0 s5, $0x0  }
0x1f: {  	s9 =	smul.u32 $0xF7A, s1;
	s8 =	simm.s32 @!p0 $0x1BF5;
	p2 =	por !p2, p0  }
0x20: {  	[sflag:s8] =	ssyncset.s32 @!p0 $0xFFFFF086;
	s6 =	sadd.s32 @!p0 s3, s7;
	s7 =	simm.s32 @!p0 $0x108  }
0x21: {  	s3 =	sadd.s32 s3, s9;
	s6 =	sadd.s32 @!p0 $0x88, s6;
	s7 =	simm.s32 @p2 $0x1082  }
0x22: {  	[simem:s7], [sflag:s8] =	dma.local @!p0 [hbm:s6], $0xF7A  }
0x23: {  	s9 =	sor.u32 $0xD0000000, s2;
	s6 =	simm.s32 $0x108;
	_ =	swait.ge @!p0 [sflag:s8], $0x0  }
0x24: {  	s3 =	sadd.s32 $0x88, s3;
	s6 =	simm.s32 @!p1 $0x1082;
	[sflag:s4] =	ssyncset.s32 $0xFFFFF086  }
0x25: {  	[simem:s6], [sflag:s4] =	dma.local [hbm:s3], $0xF7A  }
0x26: {  	[smem:$0x3F9B] =	sst s1;
	(tag) =	ssettag s2;
	_ =	strace s9  }
0x27: {  	s1 =	sld [smem:$0x3FAB]  }
0x28: {  	s2 =	sld [smem:$0x3FAC]  }
0x29: {  	s4 =	sld [smem:$0x3FAE]  }
0x2a: {  	p0 =	seq.s32 s5, $0x0;
	s5 =	sld [smem:$0x3FAF]  }
0x2b: {  	s6 =	sld [smem:$0x3FB0]  }
0x2c: {  	s7 =	sld [smem:$0x3FB1]  }
0x2d: {  	s3 =	simm.s32 $0x108;
	s8 =	sld [smem:$0x3FB2]  }
0x2e: {  	s3 =	simm.s32 @!p0 $0x1082;
	s9 =	sld [smem:$0x3FB3]  }
0x2f: {  	lr =	sadd.s32 s0, s3;
	s0 =	sld [smem:$0x3FAA]  }
0x30: {  	s3 =	sld [smem:$0x3FAD]  }
0x31: {  	[smem:$0x3FB6] =	sst s10  }
0x32: {  	s10 =	sld [smem:$0x3FB4];
	_ =	sdelay $0x3  }
0x33: {  	p0 =	seq.s32 s10, $0x1;
	s10 =	sld [smem:$0x3FB6];
	_ =	sdelay $0x3  }
0x34: {  	[smem:$0x3FB6] =	sst s10  }
0x35: {  	s10 =	sld [smem:$0x3FB5];
	_ =	sdelay $0x3  }
0x36: {  	p1 =	seq.s32 s10, $0x1;
	s10 =	sld [smem:$0x3FB6];
	_ =	sdelay $0x3  }
0x37: {  	[smem:$0x3FB6] =	sst s10  }
0x38: {  	s10 =	sld [smem:$0x3FB7]  }
0x39: {  	_ = 	snop;
	(pc) =	sbr.ind lr, $3  }
0x3a: {  	_ = 	snop  }
0x3b: {  	_ = 	snop  }
0x3c: {  	p2 =	seq.s32 s10, $0x1;
	s10 =	sld [smem:$0x3FB6]  }
0x3d: {  	_ =	shalt  }
0x3e: {  	_ =	shalt  }
0x3f: {  	_ =	shalt  }
0x40: {  	_ =	shalt  }
0x41: {  	_ =	shalt  }
0x42: {  	_ =	shalt  }
0x43: {  	_ =	shalt  }
0x44: {  	_ =	shalt  }
0x45: {  	_ =	shalt  }
0x46: {  	_ =	shalt  }
0x47: {  	_ =	shalt  }
0x48: {  	_ =	shalt  }
0x49: {  	_ =	shalt  }
0x4a: {  	_ =	shalt  }
0x4b: {  	_ =	shalt  }
0x4c: {  	_ =	shalt  }
0x4d: {  	_ =	shalt  }
0x4e: {  	_ =	shalt  }
0x4f: {  	_ =	shalt  }
0x50: {  	_ =	shalt  }
0x51: {  	_ =	shalt  }
0x52: {  	_ =	shalt  }
0x53: {  	_ =	shalt  }
0x54: {  	_ =	shalt  }
0x55: {  	_ =	shalt  }
0x56: {  	_ =	shalt  }
0x57: {  	_ =	shalt  }
0x58: {  	_ =	shalt  }
0x59: {  	_ =	shalt  }
0x5a: {  	_ =	shalt  }
0x5b: {  	_ =	shalt  }
0x5c: {  	_ =	shalt  }
0x5d: {  	_ =	shalt  }
0x5e: {  	_ =	shalt  }
0x5f: {  	_ =	shalt  }
0x60: {  	_ =	shalt  }
0x61: {  	_ =	shalt  }
0x62: {  	_ =	shalt  }
0x63: {  	_ =	shalt  }
0x64: {  	_ =	shalt  }
0x65: {  	_ =	shalt  }
0x66: {  	_ =	shalt  }
0x67: {  	_ =	shalt  }
0x68: {  	_ =	shalt  }
0x69: {  	_ =	shalt  }
0x6a: {  	_ =	shalt  }
0x6b: {  	_ =	shalt  }
0x6c: {  	_ =	shalt  }
0x6d: {  	_ =	shalt  }
0x6e: {  	_ =	shalt  }
0x6f: {  	_ =	shalt  }
0x70: {  	_ =	shalt  }
0x71: {  	_ =	shalt  }
0x72: {  	_ =	shalt  }
0x73: {  	_ =	shalt  }
0x74: {  	_ =	shalt  }
0x75: {  	_ =	shalt  }
0x76: {  	_ =	shalt  }
0x77: {  	_ =	shalt  }
0x78: {  	_ =	shalt  }
0x79: {  	_ =	shalt  }
0x7a: {  	_ =	shalt  }
0x7b: {  	_ =	shalt  }
0x7c: {  	_ =	shalt  }
0x7d: {  	_ =	shalt  }
0x7e: {  	_ =	shalt  }
0x7f: {  	_ =	shalt  }
0x80: {  	_ =	shalt  }
0x81: {  	_ =	shalt  }
0x82: {  	_ =	shalt  }
0x83: {  	_ =	shalt  }
0x84: {  	_ =	shalt  }
0x85: {  	_ =	shalt  }
0x86: {  	_ =	shalt  }
0x87: {  	_ =	shalt  }
.Lfunc_end0:
.L_simem_size_0:
called_computation.2_lowered:
.L_overlay_start_0:
0x88: {  	s2 =	sld [smem:$0x3FD9]  }
0x89: {  	s3 =	sld [smem:$0x3FFE];
	_ =	sdelay $0x1  }
0x8a: {  	s1 =	srdreg.scid  }
0x8b: {  	s0 =	sand.u32 $0x1, s1  }
0x8c: {  	s17 =	sshll.u32 s0, $0xA;
	s2 =	sadd.s32 s3, s2  }
0x8d: {  	s2 =	sadd.s32 s2, s17  }
0x8e: {  	[smem:$0x3FC2] =	sst s2  }
0x8f: {  	_ = 	snop  }
0x90: {  	s2 =	sld [smem:$0x3FD0];
	(tm) =	ssettm $0x1  }
0x91: {  	s18 =	sld [smem:$0x3FFB];
	_ =	sdelay $0x3  }
0x92: {  	_ =	strace s18  }
0x93: {  	s3 =	sld [smem:$0x3FFC];
	_ =	sdelay $0x3  }
0x94: {  	_ =	strace s3  }
0x95: {  	s3 =	sld [smem:$0x3FFD];
	_ =	sdelay $0x3  }
0x96: {  	_ =	strace s3  }
0x97: {  	_ =	strace $0x8FFFFFFF  }
0x98: {  	s19 =	sld [smem:$0x3FDB];
	_ =	sdelay $0x1  }
0x99: {  	s4 =	simm.s32 $_scs_section_size  }
0x9a: {  	s5 =	simm.s32 $_size__tile_overlayer_lowered;
	s6 =	simm.s32 $_tile_overlayer_lowered  }
0x9b: {  	s22 =	simm.s32 $0x1BFF;
	s21 =	sshll.u32 s6, $0x1;
	s3 =	sadd.s32 s4, s19  }
0x9c: {  	s7 =	simm.s32 $0x0;
	s20 =	sshll.u32 s5, $0x1;
	s5 =	sadd.s32 s21, s3  }
0x9d: {  	[timem:s7], [sflag:s22] =	dma.local [hbm:s5], s20  }
0x9e: {  	_ =	swait.ge [sflag:s22], s20  }
0x9f: {  	s4 =	ssub.s32 $0x0, s20;
	[sflag:s22] =	ssyncset.done $0x0  }
0xa0: {  	[sflag:s22] =	ssyncadd.s32 s4;
	_ =	sdelay $0x1  }
0xa1: {  	s23 =	simm.s32 $0x1B8B  }
0xa2: {  	_ =	swait.ge [sflag:s23], $0x1  }
0xa3: {  	[sflag:s23] =	ssyncset.done $0x0  }
0xa4: {  	s25 =	simm.s32 $0x1B8E;
	s24 =	sld [smem:$0x3FFE];
	[sflag:s23] =	ssyncadd.s32 $0xFFFFFFFF  }
0xa5: {  	s26 =	simm.s32 $execute0_lowered;
	[smem:$0x3FD2] =	sst s25  }
0xa6: {  	s5 =	sshll.u32 s26, $0x1;
	_ =	strace $0x8000004C;
	[dreg:$0x1] =	wrdreg $0xFFFFFFFF  }
0xa7: {  	s28 =	simm.s32 $_size_execute0_lowered;
	s3 =	sadd.s32 s3, s5;
	[dreg:$0x0] =	wrdreg $0x0  }
0xa8: {  	s5 =	sshll.u32 s28, $0x1;
	[dreg:$0x2] =	wrdreg s3  }
0xa9: {  	[dreg:$0x3] =	wrdreg s5  }
0xaa: {  	[dreg:$0x4] =	wrdreg $0xC0  }
0xab: {  	_ =	task [dreg:s7], $0x5FFFF  }
0xac: {  	[dreg:$0x1] =	wrdreg $0xFFFFFFFF  }
0xad: {  	[dreg:$0x0] =	wrdreg $0x60  }
0xae: {  	[dreg:$0x2] =	wrdreg s24  }
0xaf: {  	[dreg:$0x3] =	wrdreg s2  }
0xb0: {  	[dreg:$0x4] =	wrdreg $0x91000  }
0xb1: {  	[dreg:$0x5] =	wrdreg $0x9  }
0xb2: {  	_ =	task.clear_ibuf [dreg:s7], $0x6FFFF;
	_ =	strace $0x9000004C  }
0xb3: {  	s29 =	simm.s32 $0x9;
	_ =	strace $0x8000004E  }
0xb4: {  	_ =	swait.ge [sflag:s29], $0x1  }
0xb5: {  	[sflag:s29] =	ssyncadd.s32 $0xFFFFFFFF  }
0xb6: {  	_ =	strace $0x9000004E  }
0xb7: {  	_ =	sfence  }
0xb8: {  	s30 =	sld [smem:$0x0];
	_ =	sdelay $0x2  }
0xb9: {  	s31 =	sshll.u32 s1, $0xD;
	s1 =	sshrl.u32 s1, $0x2  }
0xba: {  	s3 =	sand.u32 $0x4000, s31;
	s1 =	sadd.s32 s1, s30  }
0xbb: {  	s0 =	sor.u32 s3, s0;
	s1 =	sshll.u32 s1, $0x11  }
0xbc: {  	s0 =	sor.u32 s1, s0  }
0xbd: {  	s0 =	sadd.s32 $0x8F2B, s0  }
0xbe: {  	[sflag:s0] =	ssyncadd.remote.s32 $0x1  }
0xbf: {  	_ =	sfence.sel $0xFFFF  }
0xc0: {  	[dreg:$0x0] =	wrdreg $0xFFFFFFFF;
	(pc) =	sbr.abs _section_cstart, $3  }
0xc1: {  	[dreg:$0x1] =	wrdreg $0xFFFFFFFF  }
0xc2: {  	_ =	task.clear_ibuf [dreg:s7], $0x2FFFF;
	_ =	strace $0x9FFFFFFF  }
0xc3: {  	(tm) =	ssettm $0x7FFFFFFF  }
tec
execute0_lowered:
.L_overlay_start_1:
0x0: {  	(tag) =	ssettag $0x1  }
0x1: {  	s5 =	rddreg [dreg:$0x0]  }
0x2: {  	s1 =	srdreg.scid;
	s6 =	rddreg [dreg:$0x1]  }
0x3: {  	s0 =	stileid.u32;
	s2 =	rddreg [dreg:$0x2];
	s3 =	simm.s32 $0x0  }
0x4: {  	s15 =	simm.s32 $0x5080;
	s18 =	simm.s32 $0x80;
	s19 =	simm.s32 $0x5100  }
0x5: {  	s20 =	simm.s32 $0x10;
	s21 =	simm.s32 $0x0;
	s7 =	sand.u32 $0x1, s1  }
0x6: {  	s26 =	sshll.u32 s0, $0x1;
	s1 =	rddreg [dreg:$0x3];
	s10 =	smul.u32 $0x13C00, s0  }
0x7: {  	[smem:$0x7FF] =	sst s3;
	s4 =	sadd.s32 $0x2A800, s5;
	s30 =	smul.u32 $0x4F000, s0  }
0x8: {  	s16 =	sshll.u32 s0, $0x6;
	s8 =	sor.u32 s7, s26;
	_ =	strace $0x8000004D  }
0x9: {  	s11 =	smul.u32 $0x13C000, s7;
	s7 =	ssub.s32 $0x2, s7;
	s16 =	sor.u32 $0x1C01, s16  }
0xa: {  	s9 =	smul.u32 $0x500, s8;
	s8 =	sshll.u32 s8, $0x4;
	s13 =	sshrl.u32 s10, $0x3  }
0xb: {  	s29 =	sshrl.u32 s7, $0x1;
	s31 =	sshrl.u32 s30, $0x2;
	s8 =	sadd.s32 s8, s5  }
0xc: {  	s10 =	sadd.s32 s10, s11;
	s28 =	sadd.s32 s13, s5;
	s14 =	ssub.s32 s7, s29  }
0xd: {  	s17 =	sadd.s32 s31, s2;
	s13 =	simm.s32 $0x2800;
	s12 =	sadd.s32 s9, s5  }
0xe: {  	s10 =	sshrl.u32 s10, $0x3;
	s6 =	sadd.s32 s6, s9;
	s7 =	sadd.s32 $0x7A000, s8  }
0xf: {  	s8 =	sadd.s32 $0x2E00, s8;
	s9 =	sadd.s32 $0x3000, s28;
	s11 =	smax.u32 s14, $0x1  }
0x10: {  	s14 =	simm.s32 $0x5000;
	s17 =	sshrl.u32 s17, $0x3;
	s10 =	sadd.s32 s10, s5  }
0x11: {  	s5 =	sadd.s32 $0x7A200, s12;
	s12 =	simm.s32 $0x1;
	s10 =	sadd.s32 $0x84200, s10  }
.LBB2_1:
0x12: {  	[tilespmem:s3], [sflag:$0x1] =	stream.linear.gather [hbm4b:s5+s3], $0x2700, $0x38;
	[tilespmem:$0x1CD00] =	vst v63  }
0x13: {  	_ =	swait.ge [sflag:s12], $0x2700  }
0x14: {  	[sflag:s12] =	ssyncset.done $0x0  }
0x15: {  	[sflag:s12] =	ssyncadd.s32 $0xFFFFD900  }
0x16: {  	[tilespmem:s13], [sflag:$0x1] =	stream.linear.gather [hbm4b:s6+s3], $0x2700, $0x38;
	[tilespmem:$0x1CD00] =	vst v63  }
0x17: {  	_ =	swait.ge [sflag:s12], $0x2700  }
0x18: {  	[sflag:s12] =	ssyncset.done $0x0  }
0x19: {  	[sflag:s12] =	ssyncadd.s32 $0xFFFFD900  }
0x1a: {  	[tilespmem:s14], [sflag:$0x1] =	stream.linear.gather [hbm4b:s7+s3], $0x80, $0x38;
	[tilespmem:$0x1CD00] =	vst v63  }
0x1b: {  	_ =	swait.ge [sflag:s12], $0x80  }
0x1c: {  	[sflag:s12] =	ssyncset.done $0x0  }
0x1d: {  	[sflag:s12] =	ssyncadd.s32 $0xFFFFFF80  }
0x1e: {  	[tilespmem:s15], [sflag:$0x1] =	stream.linear.gather [hbm4b:s8+s3], $0x80, $0x38;
	[tilespmem:$0x1CD00] =	vst v63  }
0x1f: {  	_ =	swait.ge [sflag:s12], $0x80  }
0x20: {  	[sflag:s12] =	ssyncset.done $0x0  }
0x21: {  	[sflag:s12] =	ssyncadd.s32 $0xFFFFFF80  }
0x22: {  	[spmem:s17], [sflag:s16] =	dma.local [hbm:s9], $0x2780  }
0x23: {  	_ =	swait.ge [sflag:s12], $0x2780  }
0x24: {  	[sflag:s12] =	ssyncset.done $0x0  }
0x25: {  	[sflag:s12] =	ssyncadd.s32 $0xFFFFD880  }
0x26: {  	s22 =	simm.s32 $0x0;
	[bflag:$0x0] =	sbarrier.arrive $0xFFFF  }
0x27: {  	[tilespmem:s19], [sflag:$0x1] =	stream.indirect.gather [hbm4b:s4+s18], $0x80, s22, s18, $0xb8;
	[tilespmem:$0x1CD00] =	vst v63  }
0x28: {  	_ =	swait.ge [sflag:s12], $0x4000  }
0x29: {  	[sflag:s12] =	ssyncset.done $0x0  }
0x2a: {  	s31 =	simm.s32 $0x2800;
	[sflag:s12] =	ssyncadd.s32 $0xFFFFC000  }
0x2b: {  	[spmem:s2] =	stream.indirect.scatter.add.f32 [tilespmem:s19], [sflag:$0x1], $0x80, s31, s18, $0xb8;
	[tilespmem:$0x1CD00] =	vst v63  }
0x2c: {  	_ =	swait.ge [sflag:s12], $0x4000  }
0x2d: {  	s23 =	simm.s32 $0x400;
	s22 =	simm.s32 $0x200;
	[sflag:s12] =	ssyncset.done $0x0  }
.LBB2_2:
0x2e: {  	s24 =	sshra.s32 s22, $0x2  }
0x2f: {  	[sflag:s12] =	ssyncadd.s32 $0xFFFFC000;
	s22 =	smov.u32 s23;
	s25 =	sadd.s32 $0x200, s23  }
0x30: {  	[tilespmem:s19], [sflag:$0x1] =	stream.indirect.gather [hbm4b:s4+s18], $0x80, s24, s18, $0xb8;
	[tilespmem:$0x1CD00] =	vst v63  }
0x31: {  	p0 =	sne.s32 s23, $0x9A00;
	_ =	swait.ge [sflag:s12], $0x4000  }
.Ltmp0:
0x32: {  	[sflag:s12] =	ssyncset.done $0x0;
	(pc) =	sbr.rel @p0 .LBB2_2-.Ltmp0, $4  }
0x33: {  	s23 =	sadd.s32 $0x2800, s24;
	[sflag:s12] =	ssyncadd.s32 $0xFFFFC000  }
0x34: {  	[spmem:s2] =	stream.indirect.scatter.add.f32 [tilespmem:s19], [sflag:$0x1], $0x80, s23, s18, $0xb8;
	[tilespmem:$0x1CD00] =	vst v63  }
0x35: {  	_ =	swait.ge [sflag:s12], $0x4000  }
0x36: {  	s23 =	smov.u32 s25;
	[sflag:s12] =	ssyncset.done $0x0  }
0x37: {  	s22 =	sshra.s32 s22, $0x2;
	[sflag:s12] =	ssyncadd.s32 $0xFFFFC000  }
0x38: {  	[tilespmem:s19], [sflag:$0x1] =	stream.indirect.gather [hbm4b:s4+s18], $0x80, s22, s18, $0xb8;
	[tilespmem:$0x1CD00] =	vst v63  }
0x39: {  	_ =	swait.ge [sflag:s12], $0x4000  }
0x3a: {  	[sflag:s12] =	ssyncset.done $0x0  }
0x3b: {  	s22 =	sadd.s32 $0x2800, s22;
	[sflag:s12] =	ssyncadd.s32 $0xFFFFC000  }
0x3c: {  	[spmem:s2] =	stream.indirect.scatter.add.f32 [tilespmem:s19], [sflag:$0x1], $0x80, s22, s18, $0xb8;
	[tilespmem:$0x1CD00] =	vst v63  }
0x3d: {  	_ =	swait.ge [sflag:s12], $0x4000  }
0x3e: {  	[sflag:s12] =	ssyncset.done $0x0  }
0x3f: {  	[sflag:s12] =	ssyncadd.s32 $0xFFFFC000  }
0x40: {  	[tilespmem:s19], [sflag:$0x1] =	stream.indirect.gather [hbm4b:s4+s20], $0x80, s14, s20, $0xb8;
	[tilespmem:$0x1CD00] =	vst v63  }
0x41: {  	_ =	swait.ge [sflag:s12], $0x800  }
0x42: {  	[sflag:s12] =	ssyncset.done $0x0  }
0x43: {  	[sflag:s12] =	ssyncadd.s32 $0xFFFFF800  }
0x44: {  	[spmem:s2] =	stream.indirect.scatter.add.f32 [tilespmem:s19], [sflag:$0x1], $0x80, s15, s20, $0xb8;
	[tilespmem:$0x1CD00] =	vst v63  }
0x45: {  	_ =	swait.ge [sflag:s12], $0x800  }
0x46: {  	s21 =	sadd.s32 $0x1, s21;
	[sflag:s12] =	ssyncset.done $0x0  }
0x47: {  	p0 =	sne.s32 s21, s11;
	[sflag:s12] =	ssyncadd.s32 $0xFFFFF800  }
.Ltmp1:
0x48: {  	[bflag:$0x0] =	sbarrier.arrive $0xFFFF;
	(pc) =	sbr.rel @p0 .LBB2_1-.Ltmp1, $4  }
0x49: {  	[hbm:s10], [sflag:s16] =	dma.local [spmem:s17], $0x2780  }
0x4a: {  	_ =	swait.ge [sflag:s12], $0x2780  }
0x4b: {  	[sflag:s12] =	ssyncset.done $0x0  }
0x4c: {  	[sflag:s12] =	ssyncadd.s32 $0xFFFFD880  }
0x4d: {  	_ =	sfence.sel $0x180000  }
0x4e: {  	[bflag:$0x0] =	sbarrier.arrive $0xFFFF  }
0x4f: {  	p0 =	sne.s32 s0, $0x0;
	_ =	strace $0x9000004D  }
0x50: {  	s0 =	sadd.s32 @!p0 $0x100000, s1;
	[bflag:$0x2] =	sbarrier.arrive $0xFFFF  }
0x51: {  	[sflag:s0] =	ssyncadd.tile.s32 @!p0 $0x1;
	_ =	shalt  }
.Lfunc_end2:
_tile_overlayer_lowered:
.L_overlay_start_2:
0x52: {  	(tag) =	ssettag $0x2  }
0x53: {  	s0 =	rddreg [dreg:$0x0];
	s2 =	stileid.u32  }
0x54: {  	s1 =	rddreg [dreg:$0x1];
	p0 =	sne.s32 s2, $0x0  }
0x55: {  	s3 =	rddreg [dreg:$0x2];
	[bflag:$0x3] =	sbarrier.arrive $0xFFFF;
	s2 =	simm.s32 @!p0 $0x1C01  }
0x56: {  	[timem:s3], [sflag:s2] =	dma.local @!p0 [hbm:s0], s1  }
0x57: {  	s0 =	simm.s32 @!p0 $0x1  }
0x58: {  	_ =	swait.ge @!p0 [sflag:s0], s1  }
0x59: {  	s1 =	ssub.s32 @!p0 $0x0, s1;
	[sflag:s0] =	ssyncset.done @!p0 $0x0  }
0x5a: {  	[sflag:s0] =	ssyncadd.s32 @!p0 s1  }
0x5b: {  	[bflag:$0x3] =	sbarrier.arrive $0xFFFF  }
0x5c: {  	_ =	shalt  }

// kernel: kernel.8.cloned.1.call-start
scs
__scs_entry_jumppad:
0x0: {  	(pc) =	sbr.rel $0x88, $3  }
0x1: {  	(tag) =	ssettag $0x0;
	lr =	simm.s32 $0x1  }
0x2: {  	[smem:$0x3F9B] =	sst lr;
	_ =	strace $0xD0000000  }
0x3: {  	_ = 	snop  }
0x4: {  	_ = 	snop  }
0x5: {  	_ = 	snop  }
0x6: {  	_ = 	snop  }
0x7: {  	_ = 	snop  }
__scs_overlays_trampoline_lowered:
0x8: {  	[smem:$0x3FAA] =	sst s0  }
0x9: {  	[smem:$0x3FAB] =	sst s1  }
0xa: {  	[smem:$0x3FAC] =	sst s2  }
0xb: {  	[smem:$0x3FAD] =	sst s3  }
0xc: {  	[smem:$0x3FAE] =	sst s4  }
0xd: {  	[smem:$0x3FAF] =	sst s5  }
0xe: {  	[smem:$0x3FB0] =	sst s6  }
0xf: {  	[smem:$0x3FB1] =	sst s7  }
0x10: {  	[smem:$0x3FB2] =	sst s8  }
0x11: {  	[smem:$0x3FB3] =	sst s9;
	s0 =	simm.s32 @!p0 $0x0  }
0x12: {  	s1 =	sld [smem:$0x3F99];
	s0 =	simm.s32 @p0 $0x1  }
0x13: {  	[smem:$0x3FB4] =	sst s0;
	s0 =	simm.s32 @!p1 $0x0  }
0x14: {  	s2 =	sld [smem:$0x3F98];
	s0 =	simm.s32 @p1 $0x1  }
0x15: {  	[smem:$0x3FB5] =	sst s0;
	s0 =	simm.s32 @!p2 $0x0  }
0x16: {  	s3 =	sld [smem:$0x3FDB];
	s0 =	simm.s32 @p2 $0x1  }
0x17: {  	s4 =	simm.s32 $0x1BF5;
	[smem:$0x3FB7] =	sst s0  }
0x18: {  	s0 =	sld [smem:$0x3F9A];
	_ =	swait.ge [sflag:s4], $0x0  }
0x19: {  	s7 =	sld [smem:$0x3F9B]  }
0x1a: {  	s8 =	sadd.s32 $0xFFFFE003, lr  }
0x1b: {  	s9 =	sadd.s32 $0xFFFFFEF7, lr;
	s5 =	simm.s32 $0xFFFFFFFF;
	p2 =	slt.u32 s8, $0xFFFFF086  }
0x1c: {  	p1 =	slt.u32 s9, $0xF7A;
	s5 =	simm.s32 @!p2 $0x0  }
0x1d: {  	s5 =	simm.s32 @p1 $0x1;
	p0 =	seq.s32 s7, s2  }
0x1e: {  	s7 =	smul.u32 @!p0 $0xF7A, s2;
	p2 =	seq.s32 @!p0 s5, $0x0  }
0x1f: {  	s9 =	smul.u32 $0xF7A, s1;
	s8 =	simm.s32 @!p0 $0x1BF5;
	p2 =	por !p2, p0  }
0x20: {  	[sflag:s8] =	ssyncset.s32 @!p0 $0xFFFFF086;
	s6 =	sadd.s32 @!p0 s3, s7;
	s7 =	simm.s32 @!p0 $0x108  }
0x21: {  	s3 =	sadd.s32 s3, s9;
	s6 =	sadd.s32 @!p0 $0x88, s6;
	s7 =	simm.s32 @p2 $0x1082  }
0x22: {  	[simem:s7], [sflag:s8] =	dma.local @!p0 [hbm:s6], $0xF7A  }
0x23: {  	s9 =	sor.u32 $0xD0000000, s2;
	s6 =	simm.s32 $0x108;
	_ =	swait.ge @!p0 [sflag:s8], $0x0  }
0x24: {  	s3 =	sadd.s32 $0x88, s3;
	s6 =	simm.s32 @!p1 $0x1082;
	[sflag:s4] =	ssyncset.s32 $0xFFFFF086  }
0x25: {  	[simem:s6], [sflag:s4] =	dma.local [hbm:s3], $0xF7A  }
0x26: {  	[smem:$0x3F9B] =	sst s1;
	(tag) =	ssettag s2;
	_ =	strace s9  }
0x27: {  	s1 =	sld [smem:$0x3FAB]  }
0x28: {  	s2 =	sld [smem:$0x3FAC]  }
0x29: {  	s4 =	sld [smem:$0x3FAE]  }
0x2a: {  	p0 =	seq.s32 s5, $0x0;
	s5 =	sld [smem:$0x3FAF]  }
0x2b: {  	s6 =	sld [smem:$0x3FB0]  }
0x2c: {  	s7 =	sld [smem:$0x3FB1]  }
0x2d: {  	s3 =	simm.s32 $0x108;
	s8 =	sld [smem:$0x3FB2]  }
0x2e: {  	s3 =	simm.s32 @!p0 $0x1082;
	s9 =	sld [smem:$0x3FB3]  }
0x2f: {  	lr =	sadd.s32 s0, s3;
	s0 =	sld [smem:$0x3FAA]  }
0x30: {  	s3 =	sld [smem:$0x3FAD]  }
0x31: {  	[smem:$0x3FB6] =	sst s10  }
0x32: {  	s10 =	sld [smem:$0x3FB4];
	_ =	sdelay $0x3  }
0x33: {  	p0 =	seq.s32 s10, $0x1;
	s10 =	sld [smem:$0x3FB6];
	_ =	sdelay $0x3  }
0x34: {  	[smem:$0x3FB6] =	sst s10  }
0x35: {  	s10 =	sld [smem:$0x3FB5];
	_ =	sdelay $0x3  }
0x36: {  	p1 =	seq.s32 s10, $0x1;
	s10 =	sld [smem:$0x3FB6];
	_ =	sdelay $0x3  }
0x37: {  	[smem:$0x3FB6] =	sst s10  }
0x38: {  	s10 =	sld [smem:$0x3FB7]  }
0x39: {  	_ = 	snop;
	(pc) =	sbr.ind lr, $3  }
0x3a: {  	_ = 	snop  }
0x3b: {  	_ = 	snop  }
0x3c: {  	p2 =	seq.s32 s10, $0x1;
	s10 =	sld [smem:$0x3FB6]  }
0x3d: {  	_ =	shalt  }
0x3e: {  	_ =	shalt  }
0x3f: {  	_ =	shalt  }
0x40: {  	_ =	shalt  }
0x41: {  	_ =	shalt  }
0x42: {  	_ =	shalt  }
0x43: {  	_ =	shalt  }
0x44: {  	_ =	shalt  }
0x45: {  	_ =	shalt  }
0x46: {  	_ =	shalt  }
0x47: {  	_ =	shalt  }
0x48: {  	_ =	shalt  }
0x49: {  	_ =	shalt  }
0x4a: {  	_ =	shalt  }
0x4b: {  	_ =	shalt  }
0x4c: {  	_ =	shalt  }
0x4d: {  	_ =	shalt  }
0x4e: {  	_ =	shalt  }
0x4f: {  	_ =	shalt  }
0x50: {  	_ =	shalt  }
0x51: {  	_ =	shalt  }
0x52: {  	_ =	shalt  }
0x53: {  	_ =	shalt  }
0x54: {  	_ =	shalt  }
0x55: {  	_ =	shalt  }
0x56: {  	_ =	shalt  }
0x57: {  	_ =	shalt  }
0x58: {  	_ =	shalt  }
0x59: {  	_ =	shalt  }
0x5a: {  	_ =	shalt  }
0x5b: {  	_ =	shalt  }
0x5c: {  	_ =	shalt  }
0x5d: {  	_ =	shalt  }
0x5e: {  	_ =	shalt  }
0x5f: {  	_ =	shalt  }
0x60: {  	_ =	shalt  }
0x61: {  	_ =	shalt  }
0x62: {  	_ =	shalt  }
0x63: {  	_ =	shalt  }
0x64: {  	_ =	shalt  }
0x65: {  	_ =	shalt  }
0x66: {  	_ =	shalt  }
0x67: {  	_ =	shalt  }
0x68: {  	_ =	shalt  }
0x69: {  	_ =	shalt  }
0x6a: {  	_ =	shalt  }
0x6b: {  	_ =	shalt  }
0x6c: {  	_ =	shalt  }
0x6d: {  	_ =	shalt  }
0x6e: {  	_ =	shalt  }
0x6f: {  	_ =	shalt  }
0x70: {  	_ =	shalt  }
0x71: {  	_ =	shalt  }
0x72: {  	_ =	shalt  }
0x73: {  	_ =	shalt  }
0x74: {  	_ =	shalt  }
0x75: {  	_ =	shalt  }
0x76: {  	_ =	shalt  }
0x77: {  	_ =	shalt  }
0x78: {  	_ =	shalt  }
0x79: {  	_ =	shalt  }
0x7a: {  	_ =	shalt  }
0x7b: {  	_ =	shalt  }
0x7c: {  	_ =	shalt  }
0x7d: {  	_ =	shalt  }
0x7e: {  	_ =	shalt  }
0x7f: {  	_ =	shalt  }
0x80: {  	_ =	shalt  }
0x81: {  	_ =	shalt  }
0x82: {  	_ =	shalt  }
0x83: {  	_ =	shalt  }
0x84: {  	_ =	shalt  }
0x85: {  	_ =	shalt  }
0x86: {  	_ =	shalt  }
0x87: {  	_ =	shalt  }
.Lfunc_end0:
.L_simem_size_0:
called_computation_lowered:
.L_overlay_start_0:
0x88: {  	s2 =	sld [smem:$0x3FD9]  }
0x89: {  	s3 =	sld [smem:$0x3FFE];
	_ =	sdelay $0x1  }
0x8a: {  	s1 =	srdreg.scid  }
0x8b: {  	s0 =	sand.u32 $0x1, s1  }
0x8c: {  	s17 =	sshll.u32 s0, $0xA;
	s2 =	sadd.s32 s3, s2  }
0x8d: {  	s2 =	sadd.s32 s2, s17  }
0x8e: {  	[smem:$0x3FC2] =	sst s2  }
0x8f: {  	_ = 	snop  }
0x90: {  	s2 =	sld [smem:$0x3FD0];
	(tm) =	ssettm $0x1  }
0x91: {  	s18 =	sld [smem:$0x3FFB];
	_ =	sdelay $0x3  }
0x92: {  	_ =	strace s18  }
0x93: {  	s3 =	sld [smem:$0x3FFC];
	_ =	sdelay $0x3  }
0x94: {  	_ =	strace s3  }
0x95: {  	s3 =	sld [smem:$0x3FFD];
	_ =	sdelay $0x3  }
0x96: {  	_ =	strace s3  }
0x97: {  	_ =	strace $0x8FFFFFFF  }
0x98: {  	s19 =	sld [smem:$0x3FDB];
	_ =	sdelay $0x1  }
0x99: {  	s4 =	simm.s32 $_scs_section_size  }
0x9a: {  	s5 =	simm.s32 $_size__tile_overlayer_lowered;
	s6 =	simm.s32 $_tile_overlayer_lowered  }
0x9b: {  	s22 =	simm.s32 $0x1BFF;
	s21 =	sshll.u32 s6, $0x1;
	s3 =	sadd.s32 s4, s19  }
0x9c: {  	s7 =	simm.s32 $0x0;
	s20 =	sshll.u32 s5, $0x1;
	s5 =	sadd.s32 s21, s3  }
0x9d: {  	[timem:s7], [sflag:s22] =	dma.local [hbm:s5], s20  }
0x9e: {  	_ =	swait.ge [sflag:s22], s20  }
0x9f: {  	s4 =	ssub.s32 $0x0, s20;
	[sflag:s22] =	ssyncset.done $0x0  }
0xa0: {  	[sflag:s22] =	ssyncadd.s32 s4;
	_ =	sdelay $0x1  }
0xa1: {  	s23 =	simm.s32 $0x1B8B  }
0xa2: {  	_ =	swait.ge [sflag:s23], $0x1  }
0xa3: {  	[sflag:s23] =	ssyncset.done $0x0  }
0xa4: {  	s25 =	simm.s32 $0x1B8E;
	s24 =	sld [smem:$0x3FFE];
	[sflag:s23] =	ssyncadd.s32 $0xFFFFFFFF  }
0xa5: {  	s26 =	simm.s32 $execute0_lowered;
	[smem:$0x3FD2] =	sst s25  }
0xa6: {  	s5 =	sshll.u32 s26, $0x1;
	_ =	strace $0x80000046;
	[dreg:$0x1] =	wrdreg $0xFFFFFFFF  }
0xa7: {  	s28 =	simm.s32 $_size_execute0_lowered;
	s3 =	sadd.s32 s3, s5;
	[dreg:$0x0] =	wrdreg $0x0  }
0xa8: {  	s5 =	sshll.u32 s28, $0x1;
	[dreg:$0x2] =	wrdreg s3  }
0xa9: {  	[dreg:$0x3] =	wrdreg s5  }
0xaa: {  	[dreg:$0x4] =	wrdreg $0xC0  }
0xab: {  	_ =	task [dreg:s7], $0x5FFFF  }
0xac: {  	[dreg:$0x1] =	wrdreg $0xFFFFFFFF  }
0xad: {  	[dreg:$0x0] =	wrdreg $0x60  }
0xae: {  	[dreg:$0x2] =	wrdreg s2  }
0xaf: {  	[dreg:$0x3] =	wrdreg s24  }
0xb0: {  	[dreg:$0x4] =	wrdreg $0x68800  }
0xb1: {  	[dreg:$0x5] =	wrdreg $0x9  }
0xb2: {  	_ =	task.clear_ibuf [dreg:s7], $0x6FFFF;
	_ =	strace $0x90000046  }
0xb3: {  	s29 =	simm.s32 $0x9;
	_ =	strace $0x80000048  }
0xb4: {  	_ =	swait.ge [sflag:s29], $0x1  }
0xb5: {  	[sflag:s29] =	ssyncadd.s32 $0xFFFFFFFF  }
0xb6: {  	_ =	strace $0x90000048  }
0xb7: {  	_ =	sfence  }
0xb8: {  	s30 =	sld [smem:$0x0];
	_ =	sdelay $0x2  }
0xb9: {  	s31 =	sshll.u32 s1, $0xD;
	s1 =	sshrl.u32 s1, $0x2  }
0xba: {  	s3 =	sand.u32 $0x4000, s31;
	s1 =	sadd.s32 s1, s30  }
0xbb: {  	s0 =	sor.u32 s3, s0;
	s1 =	sshll.u32 s1, $0x11  }
0xbc: {  	s0 =	sor.u32 s1, s0  }
0xbd: {  	s0 =	sadd.s32 $0x8F2B, s0  }
0xbe: {  	[sflag:s0] =	ssyncadd.remote.s32 $0x1  }
0xbf: {  	_ =	sfence.sel $0xFFFF  }
0xc0: {  	[dreg:$0x0] =	wrdreg $0xFFFFFFFF;
	(pc) =	sbr.abs _section_cstart, $3  }
0xc1: {  	[dreg:$0x1] =	wrdreg $0xFFFFFFFF  }
0xc2: {  	_ =	task.clear_ibuf [dreg:s7], $0x2FFFF;
	_ =	strace $0x9FFFFFFF  }
0xc3: {  	(tm) =	ssettm $0x7FFFFFFF  }
tec
execute0_lowered:
.L_overlay_start_1:
0x0: {  	(tag) =	ssettag $0x1  }
0x1: {  	s5 =	rddreg [dreg:$0x0]  }
0x2: {  	s6 =	rddreg [dreg:$0x1]  }
0x3: {  	s2 =	rddreg [dreg:$0x2]  }
0x4: {  	s3 =	srdreg.scid;
	s1 =	stileid.u32  }
0x5: {  	s0 =	rddreg [dreg:$0x3];
	s15 =	simm.s32 $0x80;
	s16 =	simm.s32 $0x10  }
0x6: {  	s17 =	simm.s32 $0x1;
	s18 =	simm.s32 $0x0;
	s7 =	sand.u32 $0x1, s3  }
0x7: {  	s4 =	sshll.u32 s1, $0x1;
	s3 =	simm.s32 $0x0;
	s9 =	smul.u32 $0x13C00, s1  }
0x8: {  	s28 =	smul.u32 $0x4F000, s1;
	s31 =	sshll.u32 s1, $0x6;
	s8 =	sor.u32 s7, s4  }
0x9: {  	[smem:$0x7FF] =	sst s3;
	s10 =	smul.u32 $0x13C000, s7;
	s7 =	ssub.s32 $0x2, s7  }
0xa: {  	s4 =	sshll.u32 s8, $0x4;
	_ =	strace $0x80000047;
	s12 =	sshrl.u32 s9, $0x3  }
0xb: {  	s8 =	smul.u32 $0x500, s8;
	s29 =	sshrl.u32 s7, $0x1;
	s30 =	sshrl.u32 s28, $0x2  }
0xc: {  	s11 =	sadd.s32 s4, s6;
	s4 =	sadd.s32 $0x2A800, s6;
	s9 =	sadd.s32 s9, s10  }
0xd: {  	s12 =	sadd.s32 s12, s6;
	s13 =	ssub.s32 s7, s29;
	s14 =	sadd.s32 s30, s2  }
0xe: {  	s10 =	simm.s32 $0x2880;
	s9 =	sshrl.u32 s9, $0x3;
	s5 =	sadd.s32 s5, s8  }
0xf: {  	s7 =	sadd.s32 $0x3000, s12;
	s12 =	simm.s32 $0x2800;
	s14 =	sshrl.u32 s14, $0x3  }
0x10: {  	s9 =	sadd.s32 s9, s6;
	s6 =	sadd.s32 $0x2E00, s11;
	s11 =	simm.s32 $0x2  }
0x11: {  	s8 =	sadd.s32 $0x2B000, s9;
	s9 =	smax.u32 s13, $0x1;
	s13 =	sor.u32 $0x1C02, s31  }
.LBB2_1:
0x12: {  	[tilespmem:s10], [sflag:$0x2] =	stream.linear.gather [hbm4b:s4+s3], $0x4000, $0x38;
	[tilespmem:$0x1A480] =	vst v63  }
0x13: {  	_ =	swait.ge [sflag:s11], $0x4000  }
0x14: {  	[sflag:s11] =	ssyncset.done $0x0  }
0x15: {  	[sflag:s11] =	ssyncadd.s32 $0xFFFFC000  }
0x16: {  	[tilespmem:s3], [sflag:$0x2] =	stream.linear.gather [hbm4b:s5+s3], $0x2700, $0x38;
	[tilespmem:$0x1A480] =	vst v63  }
0x17: {  	_ =	swait.ge [sflag:s11], $0x2700  }
0x18: {  	[sflag:s11] =	ssyncset.done $0x0  }
0x19: {  	[sflag:s11] =	ssyncadd.s32 $0xFFFFD900  }
0x1a: {  	[tilespmem:s12], [sflag:$0x2] =	stream.linear.gather [hbm4b:s6+s3], $0x80, $0x38;
	[tilespmem:$0x1A480] =	vst v63  }
0x1b: {  	_ =	swait.ge [sflag:s11], $0x80  }
0x1c: {  	[sflag:s11] =	ssyncset.done $0x0  }
0x1d: {  	[sflag:s11] =	ssyncadd.s32 $0xFFFFFF80  }
0x1e: {  	[spmem:s14], [sflag:s13] =	dma.local [hbm:s7], $0x2780  }
0x1f: {  	_ =	swait.ge [sflag:s11], $0x2780  }
0x20: {  	[sflag:s11] =	ssyncset.done $0x0  }
0x21: {  	[sflag:s11] =	ssyncadd.s32 $0xFFFFD880  }
0x22: {  	s19 =	simm.s32 $0x200;
	s20 =	simm.s32 $0x0;
	[bflag:$0x0] =	sbarrier.arrive $0xFFFF  }
.LBB2_2:
0x23: {  	[spmem:s2] =	stream.indirect.scatter.add.f32 [tilespmem:s10], [sflag:$0x1], $0x80, s20, s15, $0xb8;
	[tilespmem:$0x1A480] =	vst v63  }
0x24: {  	s20 =	smov.u32 s19;
	p0 =	sne.s32 s19, $0x9A00  }
.Ltmp0:
0x25: {  	s19 =	sadd.s32 $0x200, s19;
	(pc) =	sbr.rel @p0 .LBB2_2-.Ltmp0, $2  }
0x26: {  	_ =	sdelay $0x2  }
0x27: {  	s20 =	sshra.s32 s20, $0x2  }
0x28: {  	[spmem:s2] =	stream.indirect.scatter.add.f32 [tilespmem:s10], [sflag:$0x1], $0x80, s20, s15, $0xb8;
	[tilespmem:$0x1A480] =	vst v63  }
0x29: {  	_ = 	snop  }
0x2a: {  	[spmem:s2] =	stream.indirect.scatter.add.f32 [tilespmem:s10], [sflag:$0x1], $0x80, s12, s16, $0xb8;
	[tilespmem:$0x1A480] =	vst v63  }
0x2b: {  	_ =	swait.ge [sflag:s17], $0x4000  }
0x2c: {  	s19 =	simm.s32 $0x4D;
	[sflag:s17] =	ssyncset.done $0x0  }
.LBB2_4:
0x2d: {  	p0 =	sne.s32 s19, $0x1;
	s19 =	sadd.s32 $0xFFFFFFFF, s19;
	[sflag:s17] =	ssyncadd.s32 $0xFFFFC000  }
.Ltmp1:
0x2e: {  	(pc) =	sbr.rel @p0 .LBB2_4-.Ltmp1, $3  }
0x2f: {  	_ =	sdelay $0x1  }
0x30: {  	_ =	swait.ge [sflag:s17], $0x4000  }
0x31: {  	[sflag:s17] =	ssyncset.done $0x0  }
0x32: {  	[sflag:s17] =	ssyncadd.s32 $0xFFFFC000  }
0x33: {  	_ =	swait.ge [sflag:s17], $0x800  }
0x34: {  	s18 =	sadd.s32 $0x1, s18;
	[sflag:s17] =	ssyncset.done $0x0  }
0x35: {  	p0 =	sne.s32 s18, s9;
	[sflag:s17] =	ssyncadd.s32 $0xFFFFF800  }
.Ltmp2:
0x36: {  	[bflag:$0x0] =	sbarrier.arrive $0xFFFF;
	(pc) =	sbr.rel @p0 .LBB2_1-.Ltmp2, $4  }
0x37: {  	[hbm:s8], [sflag:s13] =	dma.local [spmem:s14], $0x2780  }
0x38: {  	_ =	swait.ge [sflag:s11], $0x2780  }
0x39: {  	[sflag:s11] =	ssyncset.done $0x0  }
0x3a: {  	[sflag:s11] =	ssyncadd.s32 $0xFFFFD880  }
0x3b: {  	_ =	sfence.sel $0x180000  }
0x3c: {  	[bflag:$0x0] =	sbarrier.arrive $0xFFFF  }
0x3d: {  	p0 =	sne.s32 s1, $0x0;
	_ =	strace $0x90000047  }
0x3e: {  	s0 =	sadd.s32 @!p0 $0x100000, s0;
	[bflag:$0x2] =	sbarrier.arrive $0xFFFF  }
0x3f: {  	[sflag:s0] =	ssyncadd.tile.s32 @!p0 $0x1;
	_ =	shalt  }
.Lfunc_end2:
_tile_overlayer_lowered:
.L_overlay_start_2:
0x40: {  	(tag) =	ssettag $0x2  }
0x41: {  	s0 =	rddreg [dreg:$0x0];
	s2 =	stileid.u32  }
0x42: {  	s1 =	rddreg [dreg:$0x1];
	p0 =	sne.s32 s2, $0x0  }
0x43: {  	s3 =	rddreg [dreg:$0x2];
	[bflag:$0x3] =	sbarrier.arrive $0xFFFF;
	s2 =	simm.s32 @!p0 $0x1C02  }
0x44: {  	[timem:s3], [sflag:s2] =	dma.local @!p0 [hbm:s0], s1  }
0x45: {  	s0 =	simm.s32 @!p0 $0x2  }
0x46: {  	_ =	swait.ge @!p0 [sflag:s0], s1  }
0x47: {  	s1 =	ssub.s32 @!p0 $0x0, s1;
	[sflag:s0] =	ssyncset.done @!p0 $0x0  }
0x48: {  	[sflag:s0] =	ssyncadd.s32 @!p0 s1  }
0x49: {  	[bflag:$0x3] =	sbarrier.arrive $0xFFFF  }
0x4a: {  	_ =	shalt  }

</sc_bundles>
